<compile_context>
chip_gen: v7x
topology: tpu7x:2x2x1
jax: 0.10.2.dev20260603
libtpu: 0.0.44.dev20260713+nightly
codegen_flags: <defaults>
</compile_context>

<pallas_src>
import functools

import jax
import jax.numpy as jnp
from jax import lax
from jax.experimental import pallas as pl
from jax.experimental.pallas import tpu as pltpu
from jax.experimental.pallas import tpu_sc as plsc

K = 8192
KC = 4096
D = 32
N = 16 * 1024
BT = 512
G = N // BT
COMMITMENT_COST = 0.25

NC = 2
NS = 16
NW = NC * NS
ROWS_PER_W = N // NW
CHUNK = 128
NCHUNK = ROWS_PER_W // CHUNK


def _bf16_rne(v):
    bits = lax.bitcast_convert_type(v, jnp.int32)
    r = bits + jnp.int32(0x7FFF) + lax.bitwise_and(
        lax.shift_right_logical(bits, 16), jnp.int32(1))
    r = lax.bitwise_and(r, jnp.int32(-65536))
    return lax.bitcast_convert_type(r, jnp.float32)


TW = 512


def _tc_body(x_ref, cbt_ref, a_ref, b_ref, iota_ref, idx_ref, loss_ref):
    x = x_ref[...]
    a = a_ref[...]
    acc_r = None
    acc_t = None
    acc_i = None
    for c in range(K // KC):
        mv = None
        mi = None
        for t in range(KC // TW):
            col = c * KC + t * TW
            m2 = jnp.dot(x, cbt_ref[:, pl.ds(col, TW)],
                         preferred_element_type=jnp.float32)
            dt = (a + b_ref[:, pl.ds(col, TW)]) - m2
            tmin = jnp.min(dt, axis=1, keepdims=True)
            ii = iota_ref[:, pl.ds(col, TW)]
            tidx = jnp.min(jnp.where(dt == tmin, ii, 65536.0),
                           axis=1, keepdims=True)
            if mv is None:
                mv, mi = tmin, tidx
            else:
                lt2 = tmin < mv
                eq2 = (tmin == mv) & (tidx < mi)
                mi = jnp.where(lt2 | eq2, tidx, mi)
                mv = jnp.minimum(tmin, mv)
        mv = mv[:, 0]
        mi = mi[:, 0]
        if acc_i is None:
            acc_r, acc_t, acc_i = mv, mv, mi
        else:
            lt = mv < acc_r
            eq = (mv == acc_r) & (mi < acc_i)
            acc_i = jnp.where(lt | eq, mi, acc_i)
            acc_t = jnp.where(lt, mv, acc_t)
            acc_r = jnp.where(lt, mv, acc_r)
        acc_r = _bf16_rne(acc_r)
    idx_ref[0, 0, :] = acc_i.astype(jnp.int32)
    loss_ref[0, 0, :] = jnp.sum(acc_t).reshape(1)


_tc_quantize = pl.pallas_call(
    _tc_body,
    grid=(G,),
    in_specs=[
        pl.BlockSpec((BT, D), lambda i: (i, 0)),
        pl.BlockSpec((D, K), lambda i: (0, 0)),
        pl.BlockSpec((BT, 1), lambda i: (i, 0)),
        pl.BlockSpec((1, K), lambda i: (0, 0)),
        pl.BlockSpec((1, K), lambda i: (0, 0)),
    ],
    out_specs=[
        pl.BlockSpec((1, 1, BT), lambda i: (i, 0, 0)),
        pl.BlockSpec((1, 1, 1), lambda i: (i, 0, 0)),
    ],
    out_shape=[
        jax.ShapeDtypeStruct((G, 1, BT), jnp.int32),
        jax.ShapeDtypeStruct((G, 1, 1), jnp.float32),
    ],
)


def _sc_gather(codebook, idx2):
    mesh = plsc.VectorSubcoreMesh(core_axis_name="c", subcore_axis_name="s")

    @functools.partial(
        pl.kernel,
        mesh=mesh,
        compiler_params=pltpu.CompilerParams(use_tc_tiling_on_sc=False),
        out_type=jax.ShapeDtypeStruct((N // CHUNK, CHUNK, D), jnp.float32),
        scratch_types=[
            pltpu.VMEM((NCHUNK, CHUNK), jnp.int32),
            pltpu.VMEM((NCHUNK, CHUNK, D), jnp.float32),
            pltpu.SemaphoreType.DMA,
        ],
    )
    def gather_kernel(cb_hbm, idx_hbm, out_hbm, idx_v, rows_v, sem):
        wid = lax.axis_index("s") * NC + lax.axis_index("c")
        base = wid * NCHUNK
        pltpu.sync_copy(idx_hbm.at[pl.ds(base, NCHUNK)], idx_v)
        for j in range(NCHUNK):
            pltpu.async_copy(cb_hbm.at[idx_v.at[j]], rows_v.at[j], sem).wait()
        pltpu.sync_copy(rows_v, out_hbm.at[pl.ds(base, NCHUNK)])

    return gather_kernel(codebook, idx2)


def kernel(inputs, codebook):
    flat = inputs.reshape(-1, D)
    a = jnp.sum(flat ** 2, axis=1, keepdims=True)
    b = jnp.sum(codebook ** 2, axis=1)
    iota_row = jnp.arange(K, dtype=jnp.float32).reshape(1, K)
    idx3, loss_part = _tc_quantize(
        flat * 2.0, codebook.T, a, b.reshape(1, K), iota_row)
    idx_flat = idx3.reshape(N)
    quantized = _sc_gather(codebook, idx_flat.reshape(N // CHUNK, CHUNK))
    e_latent = jnp.sum(loss_part) / (N * D)
    loss = e_latent + COMMITMENT_COST * e_latent
    return (
        quantized.reshape(inputs.shape),
        loss,
        idx_flat.reshape(inputs.shape[:-1]),
    )

# --- scband reference (transcript-rebuilt; emitter-appended) ---
"""Pipeline reference for scband-vector-quantizer-78821239816220 (READ-ONLY COPY).

The authoritative reference and input builder live on the scoring server;
editing this copy changes nothing except your own understanding.
"""

import jax, jax.numpy as jnp
import numpy as np

NUM_EMBEDDINGS = 8192
EMBED_DIM = 32
COMMITMENT_COST = 0.25
B, TOK = 16, 1024


def setup_inputs(seed: int = 0) -> dict:
    key = jax.random.key(seed)
    k1, k2 = jax.random.split(key)
    inputs = jax.random.normal(k1, (B, TOK, EMBED_DIM), dtype=jnp.float32)
    # nn.Embedding weight initialized uniform(-1/K, 1/K)
    codebook = jax.random.uniform(
        k2, (NUM_EMBEDDINGS, EMBED_DIM), dtype=jnp.float32,
        minval=-1.0 / NUM_EMBEDDINGS, maxval=1.0 / NUM_EMBEDDINGS)
    return {"inputs": inputs, "codebook": codebook}


def reference(inputs, codebook):
    d = codebook.shape[1]
    flat_inputs = inputs.reshape(-1, d)
    distances = (jnp.sum(flat_inputs ** 2, axis=1, keepdims=True)
                 + jnp.sum(codebook ** 2, axis=1)
                 - 2.0 * jnp.matmul(flat_inputs, codebook.T))
    encoding_indices = jnp.argmin(distances, axis=1)
    # one_hot @ codebook == gather row lookup (same math)
    quantized = jnp.take(codebook, encoding_indices, axis=0).reshape(inputs.shape)
    e_latent_loss = jnp.mean((jax.lax.stop_gradient(quantized) - inputs) ** 2)
    q_latent_loss = jnp.mean((quantized - jax.lax.stop_gradient(inputs)) ** 2)
    loss = q_latent_loss + COMMITMENT_COST * e_latent_loss
    quantized_st = inputs + jax.lax.stop_gradient(quantized - inputs)
    return (quantized_st, loss, encoding_indices.reshape(inputs.shape[:-1]))

if __name__ == "__main__":
    import jax
    _d = setup_inputs()
    print(jax.jit(kernel)(*tuple(_d.values())))

</pallas_src>

<mosaic_0001>
#map = affine_map<(d0, d1) -> (0, 0)>
#map1 = affine_map<(d0, d1) -> (0, 0, 0)>
module attributes {stable_mosaic.version = 14 : i64} {
  func.func @gather_kernel(%arg0: i32, %arg1: i32, %arg2: memref<8192x32xf32, #tpu.memory_space<hbm>>, %arg3: memref<128x128xi32, #tpu.memory_space<hbm>>, %arg4: memref<128x128x32xf32, #tpu.memory_space<hbm>>, %arg5: memref<4x128xi32, #tpu.memory_space<vmem>>, %arg6: memref<4x128x32xf32, #tpu.memory_space<vmem>>, %arg7: memref<!tpu.dma_semaphore, #tpu.memory_space<semaphore_mem>>) attributes {dimension_semantics = [#tpu.dimension_semantics<core_parallel>, #tpu.dimension_semantics<subcore_parallel>], iteration_bounds = array<i64: 2, 16>, scalar_prefetch = 0 : i64, scratch_operands = 3 : i64, tpu.core_type = #tpu.core_type<sc_vector_subcore>, window_params = [{transform_indices = #map}, {transform_indices = #map}, {transform_indices = #map1}]} {
    %mul3A = arith.constant 2 : i32
    %mul3A_0 = arith.muli %arg1, %mul3A : i32
    %add3A = arith.addi %mul3A_0, %arg0 : i32
    %mul3A_1 = arith.constant 4 : i32
    %mul3A_2 = arith.muli %add3A, %mul3A_1 : i32
    "tpu.region"() ({
      %run_scoped3A = tpu.sem_alloc : memref<!tpu.dma_semaphore, #tpu.memory_space<semaphore_mem>>
      %dma_start3A_97 = arith.constant 0 : i32
      %dma_start3A_98 = tpu.memref_slice %arg3[%mul3A_2, %dma_start3A_97] : memref<128x128xi32, #tpu.memory_space<hbm>> -> memref<4x128xi32, #tpu.memory_space<hbm>>
      %dma_start3A_99 = arith.constant 0 : i32
      %dma_start3A_100 = tpu.memref_slice %arg3[%mul3A_2, %dma_start3A_99] : memref<128x128xi32, #tpu.memory_space<hbm>> -> memref<4x128xi32, #tpu.memory_space<hbm>>
      tpu.enqueue_dma source(%dma_start3A_100 : memref<4x128xi32, #tpu.memory_space<hbm>>) target(%arg5 : memref<4x128xi32, #tpu.memory_space<vmem>>) target_semaphore(%run_scoped3A : memref<!tpu.dma_semaphore, #tpu.memory_space<semaphore_mem>>)
      %dma_wait3A_101 = arith.constant 0 : i32
      %dma_wait3A_102 = tpu.memref_slice %arg3[%mul3A_2, %dma_wait3A_101] : memref<128x128xi32, #tpu.memory_space<hbm>> -> memref<4x128xi32, #tpu.memory_space<hbm>>
      %dma_wait3A_103 = arith.constant 0 : i32
      %dma_wait3A_104 = tpu.memref_slice %arg3[%mul3A_2, %dma_wait3A_103] : memref<128x128xi32, #tpu.memory_space<hbm>> -> memref<4x128xi32, #tpu.memory_space<hbm>>
      tpu.wait_dma2 semaphore(%run_scoped3A : memref<!tpu.dma_semaphore, #tpu.memory_space<semaphore_mem>>) src(%dma_wait3A_104 : memref<4x128xi32, #tpu.memory_space<hbm>>) dst(%arg5 : memref<4x128xi32, #tpu.memory_space<vmem>>)
      tpu.yield
    }) : () -> ()
    %dma_start3A = arith.constant 0 : i32
    %dma_start3A_3 = arith.constant 0 : i32
    %dma_start3A_4 = arith.constant 0 : i32
    %dma_start3A_5 = arith.constant 0 : i32
    %dma_start3A_6 = tpu.memref_slice %arg6[%dma_start3A_3, %dma_start3A_4, %dma_start3A_5] : memref<4x128x32xf32, #tpu.memory_space<vmem>> -> memref<1x128x32xf32, #tpu.memory_space<vmem>>
    %dma_start3A_7 = tpu.memref_squeeze %dma_start3A_6 : memref<1x128x32xf32, #tpu.memory_space<vmem>> -> memref<128x32xf32, #tpu.memory_space<vmem>>
    %dma_start3A_8 = arith.constant 0 : i32
    %dma_start3A_9 = tpu.memref_slice %arg5[%dma_start3A, %dma_start3A_8] : memref<4x128xi32, #tpu.memory_space<vmem>> -> memref<1x128xi32, #tpu.memory_space<vmem>>
    %dma_start3A_10 = tpu.memref_squeeze %dma_start3A_9 : memref<1x128xi32, #tpu.memory_space<vmem>> -> memref<128xi32, #tpu.memory_space<vmem>>
    %dma_start3A_11 = arith.constant 0 : i32
    %dma_start3A_12 = arith.constant 0 : i32
    %dma_start3A_13 = tpu.memref_slice %arg2[%dma_start3A_11, %dma_start3A_12] : memref<8192x32xf32, #tpu.memory_space<hbm>> -> memref<8192x32xf32, #tpu.memory_space<hbm>>
    tpu.enqueue_indirect_dma source(%dma_start3A_13 : memref<8192x32xf32, #tpu.memory_space<hbm>>) target(%dma_start3A_7 : memref<128x32xf32, #tpu.memory_space<vmem>>) offsets(%dma_start3A_10 : memref<128xi32, #tpu.memory_space<vmem>>) semaphore(%arg7 : memref<!tpu.dma_semaphore, #tpu.memory_space<semaphore_mem>>)
    %dma_wait3A = arith.constant 0 : i32
    %dma_wait3A_14 = arith.constant 0 : i32
    %dma_wait3A_15 = arith.constant 0 : i32
    %dma_wait3A_16 = arith.constant 0 : i32
    %dma_wait3A_17 = tpu.memref_slice %arg6[%dma_wait3A_14, %dma_wait3A_15, %dma_wait3A_16] : memref<4x128x32xf32, #tpu.memory_space<vmem>> -> memref<1x128x32xf32, #tpu.memory_space<vmem>>
    %dma_wait3A_18 = tpu.memref_squeeze %dma_wait3A_17 : memref<1x128x32xf32, #tpu.memory_space<vmem>> -> memref<128x32xf32, #tpu.memory_space<vmem>>
    %dma_wait3A_19 = arith.constant 0 : i32
    %dma_wait3A_20 = tpu.memref_slice %arg5[%dma_wait3A, %dma_wait3A_19] : memref<4x128xi32, #tpu.memory_space<vmem>> -> memref<1x128xi32, #tpu.memory_space<vmem>>
    %dma_wait3A_21 = tpu.memref_squeeze %dma_wait3A_20 : memref<1x128xi32, #tpu.memory_space<vmem>> -> memref<128xi32, #tpu.memory_space<vmem>>
    %dma_wait3A_22 = arith.constant 0 : i32
    %dma_wait3A_23 = arith.constant 0 : i32
    %dma_wait3A_24 = tpu.memref_slice %arg2[%dma_wait3A_22, %dma_wait3A_23] : memref<8192x32xf32, #tpu.memory_space<hbm>> -> memref<8192x32xf32, #tpu.memory_space<hbm>>
    tpu.wait_indirect_dma semaphore(%arg7 : memref<!tpu.dma_semaphore, #tpu.memory_space<semaphore_mem>>) src(%dma_wait3A_24 : memref<8192x32xf32, #tpu.memory_space<hbm>>) dst(%dma_wait3A_18 : memref<128x32xf32, #tpu.memory_space<vmem>>)
    %dma_start3A_25 = arith.constant 1 : i32
    %dma_start3A_26 = arith.constant 1 : i32
    %dma_start3A_27 = arith.constant 0 : i32
    %dma_start3A_28 = arith.constant 0 : i32
    %dma_start3A_29 = tpu.memref_slice %arg6[%dma_start3A_26, %dma_start3A_27, %dma_start3A_28] : memref<4x128x32xf32, #tpu.memory_space<vmem>> -> memref<1x128x32xf32, #tpu.memory_space<vmem>>
    %dma_start3A_30 = tpu.memref_squeeze %dma_start3A_29 : memref<1x128x32xf32, #tpu.memory_space<vmem>> -> memref<128x32xf32, #tpu.memory_space<vmem>>
    %dma_start3A_31 = arith.constant 0 : i32
    %dma_start3A_32 = tpu.memref_slice %arg5[%dma_start3A_25, %dma_start3A_31] : memref<4x128xi32, #tpu.memory_space<vmem>> -> memref<1x128xi32, #tpu.memory_space<vmem>>
    %dma_start3A_33 = tpu.memref_squeeze %dma_start3A_32 : memref<1x128xi32, #tpu.memory_space<vmem>> -> memref<128xi32, #tpu.memory_space<vmem>>
    %dma_start3A_34 = arith.constant 0 : i32
    %dma_start3A_35 = arith.constant 0 : i32
    %dma_start3A_36 = tpu.memref_slice %arg2[%dma_start3A_34, %dma_start3A_35] : memref<8192x32xf32, #tpu.memory_space<hbm>> -> memref<8192x32xf32, #tpu.memory_space<hbm>>
    tpu.enqueue_indirect_dma source(%dma_start3A_36 : memref<8192x32xf32, #tpu.memory_space<hbm>>) target(%dma_start3A_30 : memref<128x32xf32, #tpu.memory_space<vmem>>) offsets(%dma_start3A_33 : memref<128xi32, #tpu.memory_space<vmem>>) semaphore(%arg7 : memref<!tpu.dma_semaphore, #tpu.memory_space<semaphore_mem>>)
    %dma_wait3A_37 = arith.constant 1 : i32
    %dma_wait3A_38 = arith.constant 1 : i32
    %dma_wait3A_39 = arith.constant 0 : i32
    %dma_wait3A_40 = arith.constant 0 : i32
    %dma_wait3A_41 = tpu.memref_slice %arg6[%dma_wait3A_38, %dma_wait3A_39, %dma_wait3A_40] : memref<4x128x32xf32, #tpu.memory_space<vmem>> -> memref<1x128x32xf32, #tpu.memory_space<vmem>>
    %dma_wait3A_42 = tpu.memref_squeeze %dma_wait3A_41 : memref<1x128x32xf32, #tpu.memory_space<vmem>> -> memref<128x32xf32, #tpu.memory_space<vmem>>
    %dma_wait3A_43 = arith.constant 0 : i32
    %dma_wait3A_44 = tpu.memref_slice %arg5[%dma_wait3A_37, %dma_wait3A_43] : memref<4x128xi32, #tpu.memory_space<vmem>> -> memref<1x128xi32, #tpu.memory_space<vmem>>
    %dma_wait3A_45 = tpu.memref_squeeze %dma_wait3A_44 : memref<1x128xi32, #tpu.memory_space<vmem>> -> memref<128xi32, #tpu.memory_space<vmem>>
    %dma_wait3A_46 = arith.constant 0 : i32
    %dma_wait3A_47 = arith.constant 0 : i32
    %dma_wait3A_48 = tpu.memref_slice %arg2[%dma_wait3A_46, %dma_wait3A_47] : memref<8192x32xf32, #tpu.memory_space<hbm>> -> memref<8192x32xf32, #tpu.memory_space<hbm>>
    tpu.wait_indirect_dma semaphore(%arg7 : memref<!tpu.dma_semaphore, #tpu.memory_space<semaphore_mem>>) src(%dma_wait3A_48 : memref<8192x32xf32, #tpu.memory_space<hbm>>) dst(%dma_wait3A_42 : memref<128x32xf32, #tpu.memory_space<vmem>>)
    %dma_start3A_49 = arith.constant 2 : i32
    %dma_start3A_50 = arith.constant 2 : i32
    %dma_start3A_51 = arith.constant 0 : i32
    %dma_start3A_52 = arith.constant 0 : i32
    %dma_start3A_53 = tpu.memref_slice %arg6[%dma_start3A_50, %dma_start3A_51, %dma_start3A_52] : memref<4x128x32xf32, #tpu.memory_space<vmem>> -> memref<1x128x32xf32, #tpu.memory_space<vmem>>
    %dma_start3A_54 = tpu.memref_squeeze %dma_start3A_53 : memref<1x128x32xf32, #tpu.memory_space<vmem>> -> memref<128x32xf32, #tpu.memory_space<vmem>>
    %dma_start3A_55 = arith.constant 0 : i32
    %dma_start3A_56 = tpu.memref_slice %arg5[%dma_start3A_49, %dma_start3A_55] : memref<4x128xi32, #tpu.memory_space<vmem>> -> memref<1x128xi32, #tpu.memory_space<vmem>>
    %dma_start3A_57 = tpu.memref_squeeze %dma_start3A_56 : memref<1x128xi32, #tpu.memory_space<vmem>> -> memref<128xi32, #tpu.memory_space<vmem>>
    %dma_start3A_58 = arith.constant 0 : i32
    %dma_start3A_59 = arith.constant 0 : i32
    %dma_start3A_60 = tpu.memref_slice %arg2[%dma_start3A_58, %dma_start3A_59] : memref<8192x32xf32, #tpu.memory_space<hbm>> -> memref<8192x32xf32, #tpu.memory_space<hbm>>
    tpu.enqueue_indirect_dma source(%dma_start3A_60 : memref<8192x32xf32, #tpu.memory_space<hbm>>) target(%dma_start3A_54 : memref<128x32xf32, #tpu.memory_space<vmem>>) offsets(%dma_start3A_57 : memref<128xi32, #tpu.memory_space<vmem>>) semaphore(%arg7 : memref<!tpu.dma_semaphore, #tpu.memory_space<semaphore_mem>>)
    %dma_wait3A_61 = arith.constant 2 : i32
    %dma_wait3A_62 = arith.constant 2 : i32
    %dma_wait3A_63 = arith.constant 0 : i32
    %dma_wait3A_64 = arith.constant 0 : i32
    %dma_wait3A_65 = tpu.memref_slice %arg6[%dma_wait3A_62, %dma_wait3A_63, %dma_wait3A_64] : memref<4x128x32xf32, #tpu.memory_space<vmem>> -> memref<1x128x32xf32, #tpu.memory_space<vmem>>
    %dma_wait3A_66 = tpu.memref_squeeze %dma_wait3A_65 : memref<1x128x32xf32, #tpu.memory_space<vmem>> -> memref<128x32xf32, #tpu.memory_space<vmem>>
    %dma_wait3A_67 = arith.constant 0 : i32
    %dma_wait3A_68 = tpu.memref_slice %arg5[%dma_wait3A_61, %dma_wait3A_67] : memref<4x128xi32, #tpu.memory_space<vmem>> -> memref<1x128xi32, #tpu.memory_space<vmem>>
    %dma_wait3A_69 = tpu.memref_squeeze %dma_wait3A_68 : memref<1x128xi32, #tpu.memory_space<vmem>> -> memref<128xi32, #tpu.memory_space<vmem>>
    %dma_wait3A_70 = arith.constant 0 : i32
    %dma_wait3A_71 = arith.constant 0 : i32
    %dma_wait3A_72 = tpu.memref_slice %arg2[%dma_wait3A_70, %dma_wait3A_71] : memref<8192x32xf32, #tpu.memory_space<hbm>> -> memref<8192x32xf32, #tpu.memory_space<hbm>>
    tpu.wait_indirect_dma semaphore(%arg7 : memref<!tpu.dma_semaphore, #tpu.memory_space<semaphore_mem>>) src(%dma_wait3A_72 : memref<8192x32xf32, #tpu.memory_space<hbm>>) dst(%dma_wait3A_66 : memref<128x32xf32, #tpu.memory_space<vmem>>)
    %dma_start3A_73 = arith.constant 3 : i32
    %dma_start3A_74 = arith.constant 3 : i32
    %dma_start3A_75 = arith.constant 0 : i32
    %dma_start3A_76 = arith.constant 0 : i32
    %dma_start3A_77 = tpu.memref_slice %arg6[%dma_start3A_74, %dma_start3A_75, %dma_start3A_76] : memref<4x128x32xf32, #tpu.memory_space<vmem>> -> memref<1x128x32xf32, #tpu.memory_space<vmem>>
    %dma_start3A_78 = tpu.memref_squeeze %dma_start3A_77 : memref<1x128x32xf32, #tpu.memory_space<vmem>> -> memref<128x32xf32, #tpu.memory_space<vmem>>
    %dma_start3A_79 = arith.constant 0 : i32
    %dma_start3A_80 = tpu.memref_slice %arg5[%dma_start3A_73, %dma_start3A_79] : memref<4x128xi32, #tpu.memory_space<vmem>> -> memref<1x128xi32, #tpu.memory_space<vmem>>
    %dma_start3A_81 = tpu.memref_squeeze %dma_start3A_80 : memref<1x128xi32, #tpu.memory_space<vmem>> -> memref<128xi32, #tpu.memory_space<vmem>>
    %dma_start3A_82 = arith.constant 0 : i32
    %dma_start3A_83 = arith.constant 0 : i32
    %dma_start3A_84 = tpu.memref_slice %arg2[%dma_start3A_82, %dma_start3A_83] : memref<8192x32xf32, #tpu.memory_space<hbm>> -> memref<8192x32xf32, #tpu.memory_space<hbm>>
    tpu.enqueue_indirect_dma source(%dma_start3A_84 : memref<8192x32xf32, #tpu.memory_space<hbm>>) target(%dma_start3A_78 : memref<128x32xf32, #tpu.memory_space<vmem>>) offsets(%dma_start3A_81 : memref<128xi32, #tpu.memory_space<vmem>>) semaphore(%arg7 : memref<!tpu.dma_semaphore, #tpu.memory_space<semaphore_mem>>)
    %dma_wait3A_85 = arith.constant 3 : i32
    %dma_wait3A_86 = arith.constant 3 : i32
    %dma_wait3A_87 = arith.constant 0 : i32
    %dma_wait3A_88 = arith.constant 0 : i32
    %dma_wait3A_89 = tpu.memref_slice %arg6[%dma_wait3A_86, %dma_wait3A_87, %dma_wait3A_88] : memref<4x128x32xf32, #tpu.memory_space<vmem>> -> memref<1x128x32xf32, #tpu.memory_space<vmem>>
    %dma_wait3A_90 = tpu.memref_squeeze %dma_wait3A_89 : memref<1x128x32xf32, #tpu.memory_space<vmem>> -> memref<128x32xf32, #tpu.memory_space<vmem>>
    %dma_wait3A_91 = arith.constant 0 : i32
    %dma_wait3A_92 = tpu.memref_slice %arg5[%dma_wait3A_85, %dma_wait3A_91] : memref<4x128xi32, #tpu.memory_space<vmem>> -> memref<1x128xi32, #tpu.memory_space<vmem>>
    %dma_wait3A_93 = tpu.memref_squeeze %dma_wait3A_92 : memref<1x128xi32, #tpu.memory_space<vmem>> -> memref<128xi32, #tpu.memory_space<vmem>>
    %dma_wait3A_94 = arith.constant 0 : i32
    %dma_wait3A_95 = arith.constant 0 : i32
    %dma_wait3A_96 = tpu.memref_slice %arg2[%dma_wait3A_94, %dma_wait3A_95] : memref<8192x32xf32, #tpu.memory_space<hbm>> -> memref<8192x32xf32, #tpu.memory_space<hbm>>
    tpu.wait_indirect_dma semaphore(%arg7 : memref<!tpu.dma_semaphore, #tpu.memory_space<semaphore_mem>>) src(%dma_wait3A_96 : memref<8192x32xf32, #tpu.memory_space<hbm>>) dst(%dma_wait3A_90 : memref<128x32xf32, #tpu.memory_space<vmem>>)
    "tpu.region"() ({
      %run_scoped3A = tpu.sem_alloc : memref<!tpu.dma_semaphore, #tpu.memory_space<semaphore_mem>>
      %dma_start3A_97 = arith.constant 0 : i32
      %dma_start3A_98 = arith.constant 0 : i32
      %dma_start3A_99 = tpu.memref_slice %arg4[%mul3A_2, %dma_start3A_97, %dma_start3A_98] : memref<128x128x32xf32, #tpu.memory_space<hbm>> -> memref<4x128x32xf32, #tpu.memory_space<hbm>>
      %dma_start3A_100 = arith.constant 0 : i32
      %dma_start3A_101 = arith.constant 0 : i32
      %dma_start3A_102 = tpu.memref_slice %arg4[%mul3A_2, %dma_start3A_100, %dma_start3A_101] : memref<128x128x32xf32, #tpu.memory_space<hbm>> -> memref<4x128x32xf32, #tpu.memory_space<hbm>>
      tpu.enqueue_dma source(%arg6 : memref<4x128x32xf32, #tpu.memory_space<vmem>>) target(%dma_start3A_102 : memref<4x128x32xf32, #tpu.memory_space<hbm>>) target_semaphore(%run_scoped3A : memref<!tpu.dma_semaphore, #tpu.memory_space<semaphore_mem>>)
      %dma_wait3A_103 = arith.constant 0 : i32
      %dma_wait3A_104 = arith.constant 0 : i32
      %dma_wait3A_105 = tpu.memref_slice %arg4[%mul3A_2, %dma_wait3A_103, %dma_wait3A_104] : memref<128x128x32xf32, #tpu.memory_space<hbm>> -> memref<4x128x32xf32, #tpu.memory_space<hbm>>
      %dma_wait3A_106 = arith.constant 0 : i32
      %dma_wait3A_107 = arith.constant 0 : i32
      %dma_wait3A_108 = tpu.memref_slice %arg4[%mul3A_2, %dma_wait3A_106, %dma_wait3A_107] : memref<128x128x32xf32, #tpu.memory_space<hbm>> -> memref<4x128x32xf32, #tpu.memory_space<hbm>>
      tpu.wait_dma2 semaphore(%run_scoped3A : memref<!tpu.dma_semaphore, #tpu.memory_space<semaphore_mem>>) src(%arg6 : memref<4x128x32xf32, #tpu.memory_space<vmem>>) dst(%dma_wait3A_108 : memref<4x128x32xf32, #tpu.memory_space<hbm>>)
      tpu.yield
    }) : () -> ()
    return
  }
}

module attributes {stable_mosaic.version = 14 : i64} {
  func.func @_tc_body(%arg0: i32, %arg1: memref<512x32xf32, #tpu.memory_space<vmem>>, %arg2: memref<32x8192xf32, #tpu.memory_space<vmem>>, %arg3: memref<512x1xf32, #tpu.memory_space<vmem>>, %arg4: memref<1x8192xf32, #tpu.memory_space<vmem>>, %arg5: memref<1x8192xf32, #tpu.memory_space<vmem>>, %arg6: memref<1x1x512xi32, #tpu.memory_space<vmem>>, %arg7: memref<1x1x1xf32, #tpu.memory_space<vmem>>) attributes {dimension_semantics = [#tpu.dimension_semantics<arbitrary>], iteration_bounds = array<i64: 32>, scalar_prefetch = 0 : i64, scratch_operands = 0 : i64, tpu.core_type = #tpu.core_type<tc>, window_params = [{transform_indices = @transform_0, window_bounds = array<i64: 512, 32>}, {pipeline_mode = #tpu.pipeline_mode<synchronous>, transform_indices = @transform_1, window_bounds = array<i64: 32, 8192>}, {transform_indices = @transform_2, window_bounds = array<i64: 512, 1>}, {pipeline_mode = #tpu.pipeline_mode<synchronous>, transform_indices = @transform_3, window_bounds = array<i64: 1, 8192>}, {pipeline_mode = #tpu.pipeline_mode<synchronous>, transform_indices = @transform_4, window_bounds = array<i64: 1, 8192>}, {transform_indices = @transform_5, window_bounds = array<i64: 1, 1, 512>}, {transform_indices = @transform_6, window_bounds = array<i64: 1, 1, 1>}]} {
    %get3A = arith.constant 0 : index
    %get3A_0 = arith.constant 0 : index
    %get3A_1 = vector.load %arg1[%get3A, %get3A_0] : memref<512x32xf32, #tpu.memory_space<vmem>>, vector<512x32xf32>
    %get3A_2 = arith.constant 0 : index
    %get3A_3 = arith.constant 0 : index
    %get3A_4 = vector.load %arg3[%get3A_2, %get3A_3] : memref<512x1xf32, #tpu.memory_space<vmem>>, vector<512x1xf32>
    %get3A_5 = arith.constant 0 : index
    %get3A_6 = arith.constant 0 : index
    %get3A_7 = vector.load %arg2[%get3A_5, %get3A_6] : memref<32x8192xf32, #tpu.memory_space<vmem>>, vector<32x512xf32>
    %dot_general3A = arith.constant dense<0.000000e+00> : vector<512x512xf32>
    %dot_general3A_8 = tpu.matmul %get3A_1, %get3A_7, %dot_general3A {dimension_numbers = #tpu.dot_dimension_numbers<[1], [0], [0], [1], [0, 0, 1, 1], [], []>, transpose_lhs_hint = false} : vector<512x32xf32>, vector<32x512xf32>, vector<512x512xf32> -> vector<512x512xf32>
    %get3A_9 = arith.constant 0 : index
    %get3A_10 = arith.constant 0 : index
    %get3A_11 = vector.load %arg4[%get3A_9, %get3A_10] : memref<1x8192xf32, #tpu.memory_space<vmem>>, vector<1x512xf32>
    %add3A = vector.broadcast %get3A_4 : vector<512x1xf32> to vector<512x512xf32>
    %add3A_12 = vector.broadcast %get3A_11 : vector<1x512xf32> to vector<512x512xf32>
    %add3A_13 = arith.addf %add3A, %add3A_12 : vector<512x512xf32>
    %sub3A = arith.subf %add3A_13, %dot_general3A_8 : vector<512x512xf32>
    %reduce_min3A = arith.constant dense<0x7F800000> : vector<512xf32>
    %reduce_min3A_14 = vector.multi_reduction <minimumf>, %sub3A, %reduce_min3A [1] : vector<512x512xf32> to vector<512xf32>
    %broadcast_in_dim3A = vector.shape_cast %reduce_min3A_14 : vector<512xf32> to vector<512x1xf32>
    %get3A_15 = arith.constant 0 : index
    %get3A_16 = arith.constant 0 : index
    %get3A_17 = vector.load %arg5[%get3A_15, %get3A_16] : memref<1x8192xf32, #tpu.memory_space<vmem>>, vector<1x512xf32>
    %eq3A = vector.broadcast %broadcast_in_dim3A : vector<512x1xf32> to vector<512x512xf32>
    %eq3A_18 = arith.cmpf oeq, %sub3A, %eq3A : vector<512x512xf32>
    %jit3A = arith.constant 6.553600e+04 : f32
    %broadcast_in_dim3A_19 = vector.shape_cast %get3A_17 : vector<1x512xf32> to vector<1x512xf32>
    %broadcast_in_dim3A_20 = vector.broadcast %broadcast_in_dim3A_19 : vector<1x512xf32> to vector<512x512xf32>
    %broadcast_in_dim3A_21 = vector.broadcast %jit3A : f32 to vector<512x512xf32>
    %select_n3A = arith.select %eq3A_18, %broadcast_in_dim3A_20, %broadcast_in_dim3A_21 : vector<512x512xi1>, vector<512x512xf32>
    %reduce_min3A_22 = arith.constant dense<0x7F800000> : vector<512xf32>
    %reduce_min3A_23 = vector.multi_reduction <minimumf>, %select_n3A, %reduce_min3A_22 [1] : vector<512x512xf32> to vector<512xf32>
    %broadcast_in_dim3A_24 = vector.shape_cast %reduce_min3A_23 : vector<512xf32> to vector<512x1xf32>
    %get3A_25 = arith.constant 0 : index
    %get3A_26 = arith.constant 512 : index
    %get3A_27 = vector.load %arg2[%get3A_25, %get3A_26] : memref<32x8192xf32, #tpu.memory_space<vmem>>, vector<32x512xf32>
    %dot_general3A_28 = arith.constant dense<0.000000e+00> : vector<512x512xf32>
    %dot_general3A_29 = tpu.matmul %get3A_1, %get3A_27, %dot_general3A_28 {dimension_numbers = #tpu.dot_dimension_numbers<[1], [0], [0], [1], [0, 0, 1, 1], [], []>, transpose_lhs_hint = false} : vector<512x32xf32>, vector<32x512xf32>, vector<512x512xf32> -> vector<512x512xf32>
    %get3A_30 = arith.constant 0 : index
    %get3A_31 = arith.constant 512 : index
    %get3A_32 = vector.load %arg4[%get3A_30, %get3A_31] : memref<1x8192xf32, #tpu.memory_space<vmem>>, vector<1x512xf32>
    %add3A_33 = vector.broadcast %get3A_4 : vector<512x1xf32> to vector<512x512xf32>
    %add3A_34 = vector.broadcast %get3A_32 : vector<1x512xf32> to vector<512x512xf32>
    %add3A_35 = arith.addf %add3A_33, %add3A_34 : vector<512x512xf32>
    %sub3A_36 = arith.subf %add3A_35, %dot_general3A_29 : vector<512x512xf32>
    %reduce_min3A_37 = arith.constant dense<0x7F800000> : vector<512xf32>
    %reduce_min3A_38 = vector.multi_reduction <minimumf>, %sub3A_36, %reduce_min3A_37 [1] : vector<512x512xf32> to vector<512xf32>
    %broadcast_in_dim3A_39 = vector.shape_cast %reduce_min3A_38 : vector<512xf32> to vector<512x1xf32>
    %get3A_40 = arith.constant 0 : index
    %get3A_41 = arith.constant 512 : index
    %get3A_42 = vector.load %arg5[%get3A_40, %get3A_41] : memref<1x8192xf32, #tpu.memory_space<vmem>>, vector<1x512xf32>
    %eq3A_43 = vector.broadcast %broadcast_in_dim3A_39 : vector<512x1xf32> to vector<512x512xf32>
    %eq3A_44 = arith.cmpf oeq, %sub3A_36, %eq3A_43 : vector<512x512xf32>
    %jit3A_45 = arith.constant 6.553600e+04 : f32
    %broadcast_in_dim3A_46 = vector.shape_cast %get3A_42 : vector<1x512xf32> to vector<1x512xf32>
    %broadcast_in_dim3A_47 = vector.broadcast %broadcast_in_dim3A_46 : vector<1x512xf32> to vector<512x512xf32>
    %broadcast_in_dim3A_48 = vector.broadcast %jit3A_45 : f32 to vector<512x512xf32>
    %select_n3A_49 = arith.select %eq3A_44, %broadcast_in_dim3A_47, %broadcast_in_dim3A_48 : vector<512x512xi1>, vector<512x512xf32>
    %reduce_min3A_50 = arith.constant dense<0x7F800000> : vector<512xf32>
    %reduce_min3A_51 = vector.multi_reduction <minimumf>, %select_n3A_49, %reduce_min3A_50 [1] : vector<512x512xf32> to vector<512xf32>
    %broadcast_in_dim3A_52 = vector.shape_cast %reduce_min3A_51 : vector<512xf32> to vector<512x1xf32>
    %lt3A = arith.cmpf olt, %broadcast_in_dim3A_39, %broadcast_in_dim3A : vector<512x1xf32>
    %eq3A_53 = arith.cmpf oeq, %broadcast_in_dim3A_39, %broadcast_in_dim3A : vector<512x1xf32>
    %lt3A_54 = arith.cmpf olt, %broadcast_in_dim3A_52, %broadcast_in_dim3A_24 : vector<512x1xf32>
    %and3A = arith.andi %eq3A_53, %lt3A_54 : vector<512x1xi1>
    %or3A = arith.ori %lt3A, %and3A : vector<512x1xi1>
    %select_n3A_55 = arith.select %or3A, %broadcast_in_dim3A_52, %broadcast_in_dim3A_24 : vector<512x1xi1>, vector<512x1xf32>
    %min3A = arith.minimumf %broadcast_in_dim3A_39, %broadcast_in_dim3A : vector<512x1xf32>
    %get3A_56 = arith.constant 0 : index
    %get3A_57 = arith.constant 1024 : index
    %get3A_58 = vector.load %arg2[%get3A_56, %get3A_57] : memref<32x8192xf32, #tpu.memory_space<vmem>>, vector<32x512xf32>
    %dot_general3A_59 = arith.constant dense<0.000000e+00> : vector<512x512xf32>
    %dot_general3A_60 = tpu.matmul %get3A_1, %get3A_58, %dot_general3A_59 {dimension_numbers = #tpu.dot_dimension_numbers<[1], [0], [0], [1], [0, 0, 1, 1], [], []>, transpose_lhs_hint = false} : vector<512x32xf32>, vector<32x512xf32>, vector<512x512xf32> -> vector<512x512xf32>
    %get3A_61 = arith.constant 0 : index
    %get3A_62 = arith.constant 1024 : index
    %get3A_63 = vector.load %arg4[%get3A_61, %get3A_62] : memref<1x8192xf32, #tpu.memory_space<vmem>>, vector<1x512xf32>
    %add3A_64 = vector.broadcast %get3A_4 : vector<512x1xf32> to vector<512x512xf32>
    %add3A_65 = vector.broadcast %get3A_63 : vector<1x512xf32> to vector<512x512xf32>
    %add3A_66 = arith.addf %add3A_64, %add3A_65 : vector<512x512xf32>
    %sub3A_67 = arith.subf %add3A_66, %dot_general3A_60 : vector<512x512xf32>
    %reduce_min3A_68 = arith.constant dense<0x7F800000> : vector<512xf32>
    %reduce_min3A_69 = vector.multi_reduction <minimumf>, %sub3A_67, %reduce_min3A_68 [1] : vector<512x512xf32> to vector<512xf32>
    %broadcast_in_dim3A_70 = vector.shape_cast %reduce_min3A_69 : vector<512xf32> to vector<512x1xf32>
    %get3A_71 = arith.constant 0 : index
    %get3A_72 = arith.constant 1024 : index
    %get3A_73 = vector.load %arg5[%get3A_71, %get3A_72] : memref<1x8192xf32, #tpu.memory_space<vmem>>, vector<1x512xf32>
    %eq3A_74 = vector.broadcast %broadcast_in_dim3A_70 : vector<512x1xf32> to vector<512x512xf32>
    %eq3A_75 = arith.cmpf oeq, %sub3A_67, %eq3A_74 : vector<512x512xf32>
    %jit3A_76 = arith.constant 6.553600e+04 : f32
    %broadcast_in_dim3A_77 = vector.shape_cast %get3A_73 : vector<1x512xf32> to vector<1x512xf32>
    %broadcast_in_dim3A_78 = vector.broadcast %broadcast_in_dim3A_77 : vector<1x512xf32> to vector<512x512xf32>
    %broadcast_in_dim3A_79 = vector.broadcast %jit3A_76 : f32 to vector<512x512xf32>
    %select_n3A_80 = arith.select %eq3A_75, %broadcast_in_dim3A_78, %broadcast_in_dim3A_79 : vector<512x512xi1>, vector<512x512xf32>
    %reduce_min3A_81 = arith.constant dense<0x7F800000> : vector<512xf32>
    %reduce_min3A_82 = vector.multi_reduction <minimumf>, %select_n3A_80, %reduce_min3A_81 [1] : vector<512x512xf32> to vector<512xf32>
    %broadcast_in_dim3A_83 = vector.shape_cast %reduce_min3A_82 : vector<512xf32> to vector<512x1xf32>
    %lt3A_84 = arith.cmpf olt, %broadcast_in_dim3A_70, %min3A : vector<512x1xf32>
    %eq3A_85 = arith.cmpf oeq, %broadcast_in_dim3A_70, %min3A : vector<512x1xf32>
    %lt3A_86 = arith.cmpf olt, %broadcast_in_dim3A_83, %select_n3A_55 : vector<512x1xf32>
    %and3A_87 = arith.andi %eq3A_85, %lt3A_86 : vector<512x1xi1>
    %or3A_88 = arith.ori %lt3A_84, %and3A_87 : vector<512x1xi1>
    %select_n3A_89 = arith.select %or3A_88, %broadcast_in_dim3A_83, %select_n3A_55 : vector<512x1xi1>, vector<512x1xf32>
    %min3A_90 = arith.minimumf %broadcast_in_dim3A_70, %min3A : vector<512x1xf32>
    %get3A_91 = arith.constant 0 : index
    %get3A_92 = arith.constant 1536 : index
    %get3A_93 = vector.load %arg2[%get3A_91, %get3A_92] : memref<32x8192xf32, #tpu.memory_space<vmem>>, vector<32x512xf32>
    %dot_general3A_94 = arith.constant dense<0.000000e+00> : vector<512x512xf32>
    %dot_general3A_95 = tpu.matmul %get3A_1, %get3A_93, %dot_general3A_94 {dimension_numbers = #tpu.dot_dimension_numbers<[1], [0], [0], [1], [0, 0, 1, 1], [], []>, transpose_lhs_hint = false} : vector<512x32xf32>, vector<32x512xf32>, vector<512x512xf32> -> vector<512x512xf32>
    %get3A_96 = arith.constant 0 : index
    %get3A_97 = arith.constant 1536 : index
    %get3A_98 = vector.load %arg4[%get3A_96, %get3A_97] : memref<1x8192xf32, #tpu.memory_space<vmem>>, vector<1x512xf32>
    %add3A_99 = vector.broadcast %get3A_4 : vector<512x1xf32> to vector<512x512xf32>
    %add3A_100 = vector.broadcast %get3A_98 : vector<1x512xf32> to vector<512x512xf32>
    %add3A_101 = arith.addf %add3A_99, %add3A_100 : vector<512x512xf32>
    %sub3A_102 = arith.subf %add3A_101, %dot_general3A_95 : vector<512x512xf32>
    %reduce_min3A_103 = arith.constant dense<0x7F800000> : vector<512xf32>
    %reduce_min3A_104 = vector.multi_reduction <minimumf>, %sub3A_102, %reduce_min3A_103 [1] : vector<512x512xf32> to vector<512xf32>
    %broadcast_in_dim3A_105 = vector.shape_cast %reduce_min3A_104 : vector<512xf32> to vector<512x1xf32>
    %get3A_106 = arith.constant 0 : index
    %get3A_107 = arith.constant 1536 : index
    %get3A_108 = vector.load %arg5[%get3A_106, %get3A_107] : memref<1x8192xf32, #tpu.memory_space<vmem>>, vector<1x512xf32>
    %eq3A_109 = vector.broadcast %broadcast_in_dim3A_105 : vector<512x1xf32> to vector<512x512xf32>
    %eq3A_110 = arith.cmpf oeq, %sub3A_102, %eq3A_109 : vector<512x512xf32>
    %jit3A_111 = arith.constant 6.553600e+04 : f32
    %broadcast_in_dim3A_112 = vector.shape_cast %get3A_108 : vector<1x512xf32> to vector<1x512xf32>
    %broadcast_in_dim3A_113 = vector.broadcast %broadcast_in_dim3A_112 : vector<1x512xf32> to vector<512x512xf32>
    %broadcast_in_dim3A_114 = vector.broadcast %jit3A_111 : f32 to vector<512x512xf32>
    %select_n3A_115 = arith.select %eq3A_110, %broadcast_in_dim3A_113, %broadcast_in_dim3A_114 : vector<512x512xi1>, vector<512x512xf32>
    %reduce_min3A_116 = arith.constant dense<0x7F800000> : vector<512xf32>
    %reduce_min3A_117 = vector.multi_reduction <minimumf>, %select_n3A_115, %reduce_min3A_116 [1] : vector<512x512xf32> to vector<512xf32>
    %broadcast_in_dim3A_118 = vector.shape_cast %reduce_min3A_117 : vector<512xf32> to vector<512x1xf32>
    %lt3A_119 = arith.cmpf olt, %broadcast_in_dim3A_105, %min3A_90 : vector<512x1xf32>
    %eq3A_120 = arith.cmpf oeq, %broadcast_in_dim3A_105, %min3A_90 : vector<512x1xf32>
    %lt3A_121 = arith.cmpf olt, %broadcast_in_dim3A_118, %select_n3A_89 : vector<512x1xf32>
    %and3A_122 = arith.andi %eq3A_120, %lt3A_121 : vector<512x1xi1>
    %or3A_123 = arith.ori %lt3A_119, %and3A_122 : vector<512x1xi1>
    %select_n3A_124 = arith.select %or3A_123, %broadcast_in_dim3A_118, %select_n3A_89 : vector<512x1xi1>, vector<512x1xf32>
    %min3A_125 = arith.minimumf %broadcast_in_dim3A_105, %min3A_90 : vector<512x1xf32>
    %get3A_126 = arith.constant 0 : index
    %get3A_127 = arith.constant 2048 : index
    %get3A_128 = vector.load %arg2[%get3A_126, %get3A_127] : memref<32x8192xf32, #tpu.memory_space<vmem>>, vector<32x512xf32>
    %dot_general3A_129 = arith.constant dense<0.000000e+00> : vector<512x512xf32>
    %dot_general3A_130 = tpu.matmul %get3A_1, %get3A_128, %dot_general3A_129 {dimension_numbers = #tpu.dot_dimension_numbers<[1], [0], [0], [1], [0, 0, 1, 1], [], []>, transpose_lhs_hint = false} : vector<512x32xf32>, vector<32x512xf32>, vector<512x512xf32> -> vector<512x512xf32>
    %get3A_131 = arith.constant 0 : index
    %get3A_132 = arith.constant 2048 : index
    %get3A_133 = vector.load %arg4[%get3A_131, %get3A_132] : memref<1x8192xf32, #tpu.memory_space<vmem>>, vector<1x512xf32>
    %add3A_134 = vector.broadcast %get3A_4 : vector<512x1xf32> to vector<512x512xf32>
    %add3A_135 = vector.broadcast %get3A_133 : vector<1x512xf32> to vector<512x512xf32>
    %add3A_136 = arith.addf %add3A_134, %add3A_135 : vector<512x512xf32>
    %sub3A_137 = arith.subf %add3A_136, %dot_general3A_130 : vector<512x512xf32>
    %reduce_min3A_138 = arith.constant dense<0x7F800000> : vector<512xf32>
    %reduce_min3A_139 = vector.multi_reduction <minimumf>, %sub3A_137, %reduce_min3A_138 [1] : vector<512x512xf32> to vector<512xf32>
    %broadcast_in_dim3A_140 = vector.shape_cast %reduce_min3A_139 : vector<512xf32> to vector<512x1xf32>
    %get3A_141 = arith.constant 0 : index
    %get3A_142 = arith.constant 2048 : index
    %get3A_143 = vector.load %arg5[%get3A_141, %get3A_142] : memref<1x8192xf32, #tpu.memory_space<vmem>>, vector<1x512xf32>
    %eq3A_144 = vector.broadcast %broadcast_in_dim3A_140 : vector<512x1xf32> to vector<512x512xf32>
    %eq3A_145 = arith.cmpf oeq, %sub3A_137, %eq3A_144 : vector<512x512xf32>
    %jit3A_146 = arith.constant 6.553600e+04 : f32
    %broadcast_in_dim3A_147 = vector.shape_cast %get3A_143 : vector<1x512xf32> to vector<1x512xf32>
    %broadcast_in_dim3A_148 = vector.broadcast %broadcast_in_dim3A_147 : vector<1x512xf32> to vector<512x512xf32>
    %broadcast_in_dim3A_149 = vector.broadcast %jit3A_146 : f32 to vector<512x512xf32>
    %select_n3A_150 = arith.select %eq3A_145, %broadcast_in_dim3A_148, %broadcast_in_dim3A_149 : vector<512x512xi1>, vector<512x512xf32>
    %reduce_min3A_151 = arith.constant dense<0x7F800000> : vector<512xf32>
    %reduce_min3A_152 = vector.multi_reduction <minimumf>, %select_n3A_150, %reduce_min3A_151 [1] : vector<512x512xf32> to vector<512xf32>
    %broadcast_in_dim3A_153 = vector.shape_cast %reduce_min3A_152 : vector<512xf32> to vector<512x1xf32>
    %lt3A_154 = arith.cmpf olt, %broadcast_in_dim3A_140, %min3A_125 : vector<512x1xf32>
    %eq3A_155 = arith.cmpf oeq, %broadcast_in_dim3A_140, %min3A_125 : vector<512x1xf32>
    %lt3A_156 = arith.cmpf olt, %broadcast_in_dim3A_153, %select_n3A_124 : vector<512x1xf32>
    %and3A_157 = arith.andi %eq3A_155, %lt3A_156 : vector<512x1xi1>
    %or3A_158 = arith.ori %lt3A_154, %and3A_157 : vector<512x1xi1>
    %select_n3A_159 = arith.select %or3A_158, %broadcast_in_dim3A_153, %select_n3A_124 : vector<512x1xi1>, vector<512x1xf32>
    %min3A_160 = arith.minimumf %broadcast_in_dim3A_140, %min3A_125 : vector<512x1xf32>
    %get3A_161 = arith.constant 0 : index
    %get3A_162 = arith.constant 2560 : index
    %get3A_163 = vector.load %arg2[%get3A_161, %get3A_162] : memref<32x8192xf32, #tpu.memory_space<vmem>>, vector<32x512xf32>
    %dot_general3A_164 = arith.constant dense<0.000000e+00> : vector<512x512xf32>
    %dot_general3A_165 = tpu.matmul %get3A_1, %get3A_163, %dot_general3A_164 {dimension_numbers = #tpu.dot_dimension_numbers<[1], [0], [0], [1], [0, 0, 1, 1], [], []>, transpose_lhs_hint = false} : vector<512x32xf32>, vector<32x512xf32>, vector<512x512xf32> -> vector<512x512xf32>
    %get3A_166 = arith.constant 0 : index
    %get3A_167 = arith.constant 2560 : index
    %get3A_168 = vector.load %arg4[%get3A_166, %get3A_167] : memref<1x8192xf32, #tpu.memory_space<vmem>>, vector<1x512xf32>
    %add3A_169 = vector.broadcast %get3A_4 : vector<512x1xf32> to vector<512x512xf32>
    %add3A_170 = vector.broadcast %get3A_168 : vector<1x512xf32> to vector<512x512xf32>
    %add3A_171 = arith.addf %add3A_169, %add3A_170 : vector<512x512xf32>
    %sub3A_172 = arith.subf %add3A_171, %dot_general3A_165 : vector<512x512xf32>
    %reduce_min3A_173 = arith.constant dense<0x7F800000> : vector<512xf32>
    %reduce_min3A_174 = vector.multi_reduction <minimumf>, %sub3A_172, %reduce_min3A_173 [1] : vector<512x512xf32> to vector<512xf32>
    %broadcast_in_dim3A_175 = vector.shape_cast %reduce_min3A_174 : vector<512xf32> to vector<512x1xf32>
    %get3A_176 = arith.constant 0 : index
    %get3A_177 = arith.constant 2560 : index
    %get3A_178 = vector.load %arg5[%get3A_176, %get3A_177] : memref<1x8192xf32, #tpu.memory_space<vmem>>, vector<1x512xf32>
    %eq3A_179 = vector.broadcast %broadcast_in_dim3A_175 : vector<512x1xf32> to vector<512x512xf32>
    %eq3A_180 = arith.cmpf oeq, %sub3A_172, %eq3A_179 : vector<512x512xf32>
    %jit3A_181 = arith.constant 6.553600e+04 : f32
    %broadcast_in_dim3A_182 = vector.shape_cast %get3A_178 : vector<1x512xf32> to vector<1x512xf32>
    %broadcast_in_dim3A_183 = vector.broadcast %broadcast_in_dim3A_182 : vector<1x512xf32> to vector<512x512xf32>
    %broadcast_in_dim3A_184 = vector.broadcast %jit3A_181 : f32 to vector<512x512xf32>
    %select_n3A_185 = arith.select %eq3A_180, %broadcast_in_dim3A_183, %broadcast_in_dim3A_184 : vector<512x512xi1>, vector<512x512xf32>
    %reduce_min3A_186 = arith.constant dense<0x7F800000> : vector<512xf32>
    %reduce_min3A_187 = vector.multi_reduction <minimumf>, %select_n3A_185, %reduce_min3A_186 [1] : vector<512x512xf32> to vector<512xf32>
    %broadcast_in_dim3A_188 = vector.shape_cast %reduce_min3A_187 : vector<512xf32> to vector<512x1xf32>
    %lt3A_189 = arith.cmpf olt, %broadcast_in_dim3A_175, %min3A_160 : vector<512x1xf32>
    %eq3A_190 = arith.cmpf oeq, %broadcast_in_dim3A_175, %min3A_160 : vector<512x1xf32>
    %lt3A_191 = arith.cmpf olt, %broadcast_in_dim3A_188, %select_n3A_159 : vector<512x1xf32>
    %and3A_192 = arith.andi %eq3A_190, %lt3A_191 : vector<512x1xi1>
    %or3A_193 = arith.ori %lt3A_189, %and3A_192 : vector<512x1xi1>
    %select_n3A_194 = arith.select %or3A_193, %broadcast_in_dim3A_188, %select_n3A_159 : vector<512x1xi1>, vector<512x1xf32>
    %min3A_195 = arith.minimumf %broadcast_in_dim3A_175, %min3A_160 : vector<512x1xf32>
    %get3A_196 = arith.constant 0 : index
    %get3A_197 = arith.constant 3072 : index
    %get3A_198 = vector.load %arg2[%get3A_196, %get3A_197] : memref<32x8192xf32, #tpu.memory_space<vmem>>, vector<32x512xf32>
    %dot_general3A_199 = arith.constant dense<0.000000e+00> : vector<512x512xf32>
    %dot_general3A_200 = tpu.matmul %get3A_1, %get3A_198, %dot_general3A_199 {dimension_numbers = #tpu.dot_dimension_numbers<[1], [0], [0], [1], [0, 0, 1, 1], [], []>, transpose_lhs_hint = false} : vector<512x32xf32>, vector<32x512xf32>, vector<512x512xf32> -> vector<512x512xf32>
    %get3A_201 = arith.constant 0 : index
    %get3A_202 = arith.constant 3072 : index
    %get3A_203 = vector.load %arg4[%get3A_201, %get3A_202] : memref<1x8192xf32, #tpu.memory_space<vmem>>, vector<1x512xf32>
    %add3A_204 = vector.broadcast %get3A_4 : vector<512x1xf32> to vector<512x512xf32>
    %add3A_205 = vector.broadcast %get3A_203 : vector<1x512xf32> to vector<512x512xf32>
    %add3A_206 = arith.addf %add3A_204, %add3A_205 : vector<512x512xf32>
    %sub3A_207 = arith.subf %add3A_206, %dot_general3A_200 : vector<512x512xf32>
    %reduce_min3A_208 = arith.constant dense<0x7F800000> : vector<512xf32>
    %reduce_min3A_209 = vector.multi_reduction <minimumf>, %sub3A_207, %reduce_min3A_208 [1] : vector<512x512xf32> to vector<512xf32>
    %broadcast_in_dim3A_210 = vector.shape_cast %reduce_min3A_209 : vector<512xf32> to vector<512x1xf32>
    %get3A_211 = arith.constant 0 : index
    %get3A_212 = arith.constant 3072 : index
    %get3A_213 = vector.load %arg5[%get3A_211, %get3A_212] : memref<1x8192xf32, #tpu.memory_space<vmem>>, vector<1x512xf32>
    %eq3A_214 = vector.broadcast %broadcast_in_dim3A_210 : vector<512x1xf32> to vector<512x512xf32>
    %eq3A_215 = arith.cmpf oeq, %sub3A_207, %eq3A_214 : vector<512x512xf32>
    %jit3A_216 = arith.constant 6.553600e+04 : f32
    %broadcast_in_dim3A_217 = vector.shape_cast %get3A_213 : vector<1x512xf32> to vector<1x512xf32>
    %broadcast_in_dim3A_218 = vector.broadcast %broadcast_in_dim3A_217 : vector<1x512xf32> to vector<512x512xf32>
    %broadcast_in_dim3A_219 = vector.broadcast %jit3A_216 : f32 to vector<512x512xf32>
    %select_n3A_220 = arith.select %eq3A_215, %broadcast_in_dim3A_218, %broadcast_in_dim3A_219 : vector<512x512xi1>, vector<512x512xf32>
    %reduce_min3A_221 = arith.constant dense<0x7F800000> : vector<512xf32>
    %reduce_min3A_222 = vector.multi_reduction <minimumf>, %select_n3A_220, %reduce_min3A_221 [1] : vector<512x512xf32> to vector<512xf32>
    %broadcast_in_dim3A_223 = vector.shape_cast %reduce_min3A_222 : vector<512xf32> to vector<512x1xf32>
    %lt3A_224 = arith.cmpf olt, %broadcast_in_dim3A_210, %min3A_195 : vector<512x1xf32>
    %eq3A_225 = arith.cmpf oeq, %broadcast_in_dim3A_210, %min3A_195 : vector<512x1xf32>
    %lt3A_226 = arith.cmpf olt, %broadcast_in_dim3A_223, %select_n3A_194 : vector<512x1xf32>
    %and3A_227 = arith.andi %eq3A_225, %lt3A_226 : vector<512x1xi1>
    %or3A_228 = arith.ori %lt3A_224, %and3A_227 : vector<512x1xi1>
    %select_n3A_229 = arith.select %or3A_228, %broadcast_in_dim3A_223, %select_n3A_194 : vector<512x1xi1>, vector<512x1xf32>
    %min3A_230 = arith.minimumf %broadcast_in_dim3A_210, %min3A_195 : vector<512x1xf32>
    %get3A_231 = arith.constant 0 : index
    %get3A_232 = arith.constant 3584 : index
    %get3A_233 = vector.load %arg2[%get3A_231, %get3A_232] : memref<32x8192xf32, #tpu.memory_space<vmem>>, vector<32x512xf32>
    %dot_general3A_234 = arith.constant dense<0.000000e+00> : vector<512x512xf32>
    %dot_general3A_235 = tpu.matmul %get3A_1, %get3A_233, %dot_general3A_234 {dimension_numbers = #tpu.dot_dimension_numbers<[1], [0], [0], [1], [0, 0, 1, 1], [], []>, transpose_lhs_hint = false} : vector<512x32xf32>, vector<32x512xf32>, vector<512x512xf32> -> vector<512x512xf32>
    %get3A_236 = arith.constant 0 : index
    %get3A_237 = arith.constant 3584 : index
    %get3A_238 = vector.load %arg4[%get3A_236, %get3A_237] : memref<1x8192xf32, #tpu.memory_space<vmem>>, vector<1x512xf32>
    %add3A_239 = vector.broadcast %get3A_4 : vector<512x1xf32> to vector<512x512xf32>
    %add3A_240 = vector.broadcast %get3A_238 : vector<1x512xf32> to vector<512x512xf32>
    %add3A_241 = arith.addf %add3A_239, %add3A_240 : vector<512x512xf32>
    %sub3A_242 = arith.subf %add3A_241, %dot_general3A_235 : vector<512x512xf32>
    %reduce_min3A_243 = arith.constant dense<0x7F800000> : vector<512xf32>
    %reduce_min3A_244 = vector.multi_reduction <minimumf>, %sub3A_242, %reduce_min3A_243 [1] : vector<512x512xf32> to vector<512xf32>
    %broadcast_in_dim3A_245 = vector.shape_cast %reduce_min3A_244 : vector<512xf32> to vector<512x1xf32>
    %get3A_246 = arith.constant 0 : index
    %get3A_247 = arith.constant 3584 : index
    %get3A_248 = vector.load %arg5[%get3A_246, %get3A_247] : memref<1x8192xf32, #tpu.memory_space<vmem>>, vector<1x512xf32>
    %eq3A_249 = vector.broadcast %broadcast_in_dim3A_245 : vector<512x1xf32> to vector<512x512xf32>
    %eq3A_250 = arith.cmpf oeq, %sub3A_242, %eq3A_249 : vector<512x512xf32>
    %jit3A_251 = arith.constant 6.553600e+04 : f32
    %broadcast_in_dim3A_252 = vector.shape_cast %get3A_248 : vector<1x512xf32> to vector<1x512xf32>
    %broadcast_in_dim3A_253 = vector.broadcast %broadcast_in_dim3A_252 : vector<1x512xf32> to vector<512x512xf32>
    %broadcast_in_dim3A_254 = vector.broadcast %jit3A_251 : f32 to vector<512x512xf32>
    %select_n3A_255 = arith.select %eq3A_250, %broadcast_in_dim3A_253, %broadcast_in_dim3A_254 : vector<512x512xi1>, vector<512x512xf32>
    %reduce_min3A_256 = arith.constant dense<0x7F800000> : vector<512xf32>
    %reduce_min3A_257 = vector.multi_reduction <minimumf>, %select_n3A_255, %reduce_min3A_256 [1] : vector<512x512xf32> to vector<512xf32>
    %broadcast_in_dim3A_258 = vector.shape_cast %reduce_min3A_257 : vector<512xf32> to vector<512x1xf32>
    %lt3A_259 = arith.cmpf olt, %broadcast_in_dim3A_245, %min3A_230 : vector<512x1xf32>
    %eq3A_260 = arith.cmpf oeq, %broadcast_in_dim3A_245, %min3A_230 : vector<512x1xf32>
    %lt3A_261 = arith.cmpf olt, %broadcast_in_dim3A_258, %select_n3A_229 : vector<512x1xf32>
    %and3A_262 = arith.andi %eq3A_260, %lt3A_261 : vector<512x1xi1>
    %or3A_263 = arith.ori %lt3A_259, %and3A_262 : vector<512x1xi1>
    %select_n3A_264 = arith.select %or3A_263, %broadcast_in_dim3A_258, %select_n3A_229 : vector<512x1xi1>, vector<512x1xf32>
    %min3A_265 = arith.minimumf %broadcast_in_dim3A_245, %min3A_230 : vector<512x1xf32>
    %squeeze3A = vector.shape_cast %min3A_265 : vector<512x1xf32> to vector<512xf32>
    %squeeze3A_266 = vector.shape_cast %select_n3A_264 : vector<512x1xf32> to vector<512xf32>
    %bitcast_convert_type3A = tpu.bitcast %squeeze3A : vector<512xf32> -> vector<512xi32>
    %add3A_267 = arith.constant 32767 : i32
    %add3A_268 = vector.broadcast %add3A_267 : i32 to vector<512xi32>
    %add3A_269 = arith.addi %bitcast_convert_type3A, %add3A_268 : vector<512xi32>
    %shift_right_logical3A = arith.constant 16 : i32
    %shift_right_logical3A_270 = vector.broadcast %shift_right_logical3A : i32 to vector<512xi32>
    %shift_right_logical3A_271 = arith.shrui %bitcast_convert_type3A, %shift_right_logical3A_270 : vector<512xi32>
    %and3A_272 = arith.constant 1 : i32
    %and3A_273 = vector.broadcast %and3A_272 : i32 to vector<512xi32>
    %and3A_274 = arith.andi %shift_right_logical3A_271, %and3A_273 : vector<512xi32>
    %add3A_275 = arith.addi %add3A_269, %and3A_274 : vector<512xi32>
    %and3A_276 = arith.constant -65536 : i32
    %and3A_277 = vector.broadcast %and3A_276 : i32 to vector<512xi32>
    %and3A_278 = arith.andi %add3A_275, %and3A_277 : vector<512xi32>
    %bitcast_convert_type3A_279 = tpu.bitcast %and3A_278 : vector<512xi32> -> vector<512xf32>
    %get3A_280 = arith.constant 0 : index
    %get3A_281 = arith.constant 4096 : index
    %get3A_282 = vector.load %arg2[%get3A_280, %get3A_281] : memref<32x8192xf32, #tpu.memory_space<vmem>>, vector<32x512xf32>
    %dot_general3A_283 = arith.constant dense<0.000000e+00> : vector<512x512xf32>
    %dot_general3A_284 = tpu.matmul %get3A_1, %get3A_282, %dot_general3A_283 {dimension_numbers = #tpu.dot_dimension_numbers<[1], [0], [0], [1], [0, 0, 1, 1], [], []>, transpose_lhs_hint = false} : vector<512x32xf32>, vector<32x512xf32>, vector<512x512xf32> -> vector<512x512xf32>
    %get3A_285 = arith.constant 0 : index
    %get3A_286 = arith.constant 4096 : index
    %get3A_287 = vector.load %arg4[%get3A_285, %get3A_286] : memref<1x8192xf32, #tpu.memory_space<vmem>>, vector<1x512xf32>
    %add3A_288 = vector.broadcast %get3A_4 : vector<512x1xf32> to vector<512x512xf32>
    %add3A_289 = vector.broadcast %get3A_287 : vector<1x512xf32> to vector<512x512xf32>
    %add3A_290 = arith.addf %add3A_288, %add3A_289 : vector<512x512xf32>
    %sub3A_291 = arith.subf %add3A_290, %dot_general3A_284 : vector<512x512xf32>
    %reduce_min3A_292 = arith.constant dense<0x7F800000> : vector<512xf32>
    %reduce_min3A_293 = vector.multi_reduction <minimumf>, %sub3A_291, %reduce_min3A_292 [1] : vector<512x512xf32> to vector<512xf32>
    %broadcast_in_dim3A_294 = vector.shape_cast %reduce_min3A_293 : vector<512xf32> to vector<512x1xf32>
    %get3A_295 = arith.constant 0 : index
    %get3A_296 = arith.constant 4096 : index
    %get3A_297 = vector.load %arg5[%get3A_295, %get3A_296] : memref<1x8192xf32, #tpu.memory_space<vmem>>, vector<1x512xf32>
    %eq3A_298 = vector.broadcast %broadcast_in_dim3A_294 : vector<512x1xf32> to vector<512x512xf32>
    %eq3A_299 = arith.cmpf oeq, %sub3A_291, %eq3A_298 : vector<512x512xf32>
    %jit3A_300 = arith.constant 6.553600e+04 : f32
    %broadcast_in_dim3A_301 = vector.shape_cast %get3A_297 : vector<1x512xf32> to vector<1x512xf32>
    %broadcast_in_dim3A_302 = vector.broadcast %broadcast_in_dim3A_301 : vector<1x512xf32> to vector<512x512xf32>
    %broadcast_in_dim3A_303 = vector.broadcast %jit3A_300 : f32 to vector<512x512xf32>
    %select_n3A_304 = arith.select %eq3A_299, %broadcast_in_dim3A_302, %broadcast_in_dim3A_303 : vector<512x512xi1>, vector<512x512xf32>
    %reduce_min3A_305 = arith.constant dense<0x7F800000> : vector<512xf32>
    %reduce_min3A_306 = vector.multi_reduction <minimumf>, %select_n3A_304, %reduce_min3A_305 [1] : vector<512x512xf32> to vector<512xf32>
    %broadcast_in_dim3A_307 = vector.shape_cast %reduce_min3A_306 : vector<512xf32> to vector<512x1xf32>
    %get3A_308 = arith.constant 0 : index
    %get3A_309 = arith.constant 4608 : index
    %get3A_310 = vector.load %arg2[%get3A_308, %get3A_309] : memref<32x8192xf32, #tpu.memory_space<vmem>>, vector<32x512xf32>
    %dot_general3A_311 = arith.constant dense<0.000000e+00> : vector<512x512xf32>
    %dot_general3A_312 = tpu.matmul %get3A_1, %get3A_310, %dot_general3A_311 {dimension_numbers = #tpu.dot_dimension_numbers<[1], [0], [0], [1], [0, 0, 1, 1], [], []>, transpose_lhs_hint = false} : vector<512x32xf32>, vector<32x512xf32>, vector<512x512xf32> -> vector<512x512xf32>
    %get3A_313 = arith.constant 0 : index
    %get3A_314 = arith.constant 4608 : index
    %get3A_315 = vector.load %arg4[%get3A_313, %get3A_314] : memref<1x8192xf32, #tpu.memory_space<vmem>>, vector<1x512xf32>
    %add3A_316 = vector.broadcast %get3A_4 : vector<512x1xf32> to vector<512x512xf32>
    %add3A_317 = vector.broadcast %get3A_315 : vector<1x512xf32> to vector<512x512xf32>
    %add3A_318 = arith.addf %add3A_316, %add3A_317 : vector<512x512xf32>
    %sub3A_319 = arith.subf %add3A_318, %dot_general3A_312 : vector<512x512xf32>
    %reduce_min3A_320 = arith.constant dense<0x7F800000> : vector<512xf32>
    %reduce_min3A_321 = vector.multi_reduction <minimumf>, %sub3A_319, %reduce_min3A_320 [1] : vector<512x512xf32> to vector<512xf32>
    %broadcast_in_dim3A_322 = vector.shape_cast %reduce_min3A_321 : vector<512xf32> to vector<512x1xf32>
    %get3A_323 = arith.constant 0 : index
    %get3A_324 = arith.constant 4608 : index
    %get3A_325 = vector.load %arg5[%get3A_323, %get3A_324] : memref<1x8192xf32, #tpu.memory_space<vmem>>, vector<1x512xf32>
    %eq3A_326 = vector.broadcast %broadcast_in_dim3A_322 : vector<512x1xf32> to vector<512x512xf32>
    %eq3A_327 = arith.cmpf oeq, %sub3A_319, %eq3A_326 : vector<512x512xf32>
    %jit3A_328 = arith.constant 6.553600e+04 : f32
    %broadcast_in_dim3A_329 = vector.shape_cast %get3A_325 : vector<1x512xf32> to vector<1x512xf32>
    %broadcast_in_dim3A_330 = vector.broadcast %broadcast_in_dim3A_329 : vector<1x512xf32> to vector<512x512xf32>
    %broadcast_in_dim3A_331 = vector.broadcast %jit3A_328 : f32 to vector<512x512xf32>
    %select_n3A_332 = arith.select %eq3A_327, %broadcast_in_dim3A_330, %broadcast_in_dim3A_331 : vector<512x512xi1>, vector<512x512xf32>
    %reduce_min3A_333 = arith.constant dense<0x7F800000> : vector<512xf32>
    %reduce_min3A_334 = vector.multi_reduction <minimumf>, %select_n3A_332, %reduce_min3A_333 [1] : vector<512x512xf32> to vector<512xf32>
    %broadcast_in_dim3A_335 = vector.shape_cast %reduce_min3A_334 : vector<512xf32> to vector<512x1xf32>
    %lt3A_336 = arith.cmpf olt, %broadcast_in_dim3A_322, %broadcast_in_dim3A_294 : vector<512x1xf32>
    %eq3A_337 = arith.cmpf oeq, %broadcast_in_dim3A_322, %broadcast_in_dim3A_294 : vector<512x1xf32>
    %lt3A_338 = arith.cmpf olt, %broadcast_in_dim3A_335, %broadcast_in_dim3A_307 : vector<512x1xf32>
    %and3A_339 = arith.andi %eq3A_337, %lt3A_338 : vector<512x1xi1>
    %or3A_340 = arith.ori %lt3A_336, %and3A_339 : vector<512x1xi1>
    %select_n3A_341 = arith.select %or3A_340, %broadcast_in_dim3A_335, %broadcast_in_dim3A_307 : vector<512x1xi1>, vector<512x1xf32>
    %min3A_342 = arith.minimumf %broadcast_in_dim3A_322, %broadcast_in_dim3A_294 : vector<512x1xf32>
    %get3A_343 = arith.constant 0 : index
    %get3A_344 = arith.constant 5120 : index
    %get3A_345 = vector.load %arg2[%get3A_343, %get3A_344] : memref<32x8192xf32, #tpu.memory_space<vmem>>, vector<32x512xf32>
    %dot_general3A_346 = arith.constant dense<0.000000e+00> : vector<512x512xf32>
    %dot_general3A_347 = tpu.matmul %get3A_1, %get3A_345, %dot_general3A_346 {dimension_numbers = #tpu.dot_dimension_numbers<[1], [0], [0], [1], [0, 0, 1, 1], [], []>, transpose_lhs_hint = false} : vector<512x32xf32>, vector<32x512xf32>, vector<512x512xf32> -> vector<512x512xf32>
    %get3A_348 = arith.constant 0 : index
    %get3A_349 = arith.constant 5120 : index
    %get3A_350 = vector.load %arg4[%get3A_348, %get3A_349] : memref<1x8192xf32, #tpu.memory_space<vmem>>, vector<1x512xf32>
    %add3A_351 = vector.broadcast %get3A_4 : vector<512x1xf32> to vector<512x512xf32>
    %add3A_352 = vector.broadcast %get3A_350 : vector<1x512xf32> to vector<512x512xf32>
    %add3A_353 = arith.addf %add3A_351, %add3A_352 : vector<512x512xf32>
    %sub3A_354 = arith.subf %add3A_353, %dot_general3A_347 : vector<512x512xf32>
    %reduce_min3A_355 = arith.constant dense<0x7F800000> : vector<512xf32>
    %reduce_min3A_356 = vector.multi_reduction <minimumf>, %sub3A_354, %reduce_min3A_355 [1] : vector<512x512xf32> to vector<512xf32>
    %broadcast_in_dim3A_357 = vector.shape_cast %reduce_min3A_356 : vector<512xf32> to vector<512x1xf32>
    %get3A_358 = arith.constant 0 : index
    %get3A_359 = arith.constant 5120 : index
    %get3A_360 = vector.load %arg5[%get3A_358, %get3A_359] : memref<1x8192xf32, #tpu.memory_space<vmem>>, vector<1x512xf32>
    %eq3A_361 = vector.broadcast %broadcast_in_dim3A_357 : vector<512x1xf32> to vector<512x512xf32>
    %eq3A_362 = arith.cmpf oeq, %sub3A_354, %eq3A_361 : vector<512x512xf32>
    %jit3A_363 = arith.constant 6.553600e+04 : f32
    %broadcast_in_dim3A_364 = vector.shape_cast %get3A_360 : vector<1x512xf32> to vector<1x512xf32>
    %broadcast_in_dim3A_365 = vector.broadcast %broadcast_in_dim3A_364 : vector<1x512xf32> to vector<512x512xf32>
    %broadcast_in_dim3A_366 = vector.broadcast %jit3A_363 : f32 to vector<512x512xf32>
    %select_n3A_367 = arith.select %eq3A_362, %broadcast_in_dim3A_365, %broadcast_in_dim3A_366 : vector<512x512xi1>, vector<512x512xf32>
    %reduce_min3A_368 = arith.constant dense<0x7F800000> : vector<512xf32>
    %reduce_min3A_369 = vector.multi_reduction <minimumf>, %select_n3A_367, %reduce_min3A_368 [1] : vector<512x512xf32> to vector<512xf32>
    %broadcast_in_dim3A_370 = vector.shape_cast %reduce_min3A_369 : vector<512xf32> to vector<512x1xf32>
    %lt3A_371 = arith.cmpf olt, %broadcast_in_dim3A_357, %min3A_342 : vector<512x1xf32>
    %eq3A_372 = arith.cmpf oeq, %broadcast_in_dim3A_357, %min3A_342 : vector<512x1xf32>
    %lt3A_373 = arith.cmpf olt, %broadcast_in_dim3A_370, %select_n3A_341 : vector<512x1xf32>
    %and3A_374 = arith.andi %eq3A_372, %lt3A_373 : vector<512x1xi1>
    %or3A_375 = arith.ori %lt3A_371, %and3A_374 : vector<512x1xi1>
    %select_n3A_376 = arith.select %or3A_375, %broadcast_in_dim3A_370, %select_n3A_341 : vector<512x1xi1>, vector<512x1xf32>
    %min3A_377 = arith.minimumf %broadcast_in_dim3A_357, %min3A_342 : vector<512x1xf32>
    %get3A_378 = arith.constant 0 : index
    %get3A_379 = arith.constant 5632 : index
    %get3A_380 = vector.load %arg2[%get3A_378, %get3A_379] : memref<32x8192xf32, #tpu.memory_space<vmem>>, vector<32x512xf32>
    %dot_general3A_381 = arith.constant dense<0.000000e+00> : vector<512x512xf32>
    %dot_general3A_382 = tpu.matmul %get3A_1, %get3A_380, %dot_general3A_381 {dimension_numbers = #tpu.dot_dimension_numbers<[1], [0], [0], [1], [0, 0, 1, 1], [], []>, transpose_lhs_hint = false} : vector<512x32xf32>, vector<32x512xf32>, vector<512x512xf32> -> vector<512x512xf32>
    %get3A_383 = arith.constant 0 : index
    %get3A_384 = arith.constant 5632 : index
    %get3A_385 = vector.load %arg4[%get3A_383, %get3A_384] : memref<1x8192xf32, #tpu.memory_space<vmem>>, vector<1x512xf32>
    %add3A_386 = vector.broadcast %get3A_4 : vector<512x1xf32> to vector<512x512xf32>
    %add3A_387 = vector.broadcast %get3A_385 : vector<1x512xf32> to vector<512x512xf32>
    %add3A_388 = arith.addf %add3A_386, %add3A_387 : vector<512x512xf32>
    %sub3A_389 = arith.subf %add3A_388, %dot_general3A_382 : vector<512x512xf32>
    %reduce_min3A_390 = arith.constant dense<0x7F800000> : vector<512xf32>
    %reduce_min3A_391 = vector.multi_reduction <minimumf>, %sub3A_389, %reduce_min3A_390 [1] : vector<512x512xf32> to vector<512xf32>
    %broadcast_in_dim3A_392 = vector.shape_cast %reduce_min3A_391 : vector<512xf32> to vector<512x1xf32>
    %get3A_393 = arith.constant 0 : index
    %get3A_394 = arith.constant 5632 : index
    %get3A_395 = vector.load %arg5[%get3A_393, %get3A_394] : memref<1x8192xf32, #tpu.memory_space<vmem>>, vector<1x512xf32>
    %eq3A_396 = vector.broadcast %broadcast_in_dim3A_392 : vector<512x1xf32> to vector<512x512xf32>
    %eq3A_397 = arith.cmpf oeq, %sub3A_389, %eq3A_396 : vector<512x512xf32>
    %jit3A_398 = arith.constant 6.553600e+04 : f32
    %broadcast_in_dim3A_399 = vector.shape_cast %get3A_395 : vector<1x512xf32> to vector<1x512xf32>
    %broadcast_in_dim3A_400 = vector.broadcast %broadcast_in_dim3A_399 : vector<1x512xf32> to vector<512x512xf32>
    %broadcast_in_dim3A_401 = vector.broadcast %jit3A_398 : f32 to vector<512x512xf32>
    %select_n3A_402 = arith.select %eq3A_397, %broadcast_in_dim3A_400, %broadcast_in_dim3A_401 : vector<512x512xi1>, vector<512x512xf32>
    %reduce_min3A_403 = arith.constant dense<0x7F800000> : vector<512xf32>
    %reduce_min3A_404 = vector.multi_reduction <minimumf>, %select_n3A_402, %reduce_min3A_403 [1] : vector<512x512xf32> to vector<512xf32>
    %broadcast_in_dim3A_405 = vector.shape_cast %reduce_min3A_404 : vector<512xf32> to vector<512x1xf32>
    %lt3A_406 = arith.cmpf olt, %broadcast_in_dim3A_392, %min3A_377 : vector<512x1xf32>
    %eq3A_407 = arith.cmpf oeq, %broadcast_in_dim3A_392, %min3A_377 : vector<512x1xf32>
    %lt3A_408 = arith.cmpf olt, %broadcast_in_dim3A_405, %select_n3A_376 : vector<512x1xf32>
    %and3A_409 = arith.andi %eq3A_407, %lt3A_408 : vector<512x1xi1>
    %or3A_410 = arith.ori %lt3A_406, %and3A_409 : vector<512x1xi1>
    %select_n3A_411 = arith.select %or3A_410, %broadcast_in_dim3A_405, %select_n3A_376 : vector<512x1xi1>, vector<512x1xf32>
    %min3A_412 = arith.minimumf %broadcast_in_dim3A_392, %min3A_377 : vector<512x1xf32>
    %get3A_413 = arith.constant 0 : index
    %get3A_414 = arith.constant 6144 : index
    %get3A_415 = vector.load %arg2[%get3A_413, %get3A_414] : memref<32x8192xf32, #tpu.memory_space<vmem>>, vector<32x512xf32>
    %dot_general3A_416 = arith.constant dense<0.000000e+00> : vector<512x512xf32>
    %dot_general3A_417 = tpu.matmul %get3A_1, %get3A_415, %dot_general3A_416 {dimension_numbers = #tpu.dot_dimension_numbers<[1], [0], [0], [1], [0, 0, 1, 1], [], []>, transpose_lhs_hint = false} : vector<512x32xf32>, vector<32x512xf32>, vector<512x512xf32> -> vector<512x512xf32>
    %get3A_418 = arith.constant 0 : index
    %get3A_419 = arith.constant 6144 : index
    %get3A_420 = vector.load %arg4[%get3A_418, %get3A_419] : memref<1x8192xf32, #tpu.memory_space<vmem>>, vector<1x512xf32>
    %add3A_421 = vector.broadcast %get3A_4 : vector<512x1xf32> to vector<512x512xf32>
    %add3A_422 = vector.broadcast %get3A_420 : vector<1x512xf32> to vector<512x512xf32>
    %add3A_423 = arith.addf %add3A_421, %add3A_422 : vector<512x512xf32>
    %sub3A_424 = arith.subf %add3A_423, %dot_general3A_417 : vector<512x512xf32>
    %reduce_min3A_425 = arith.constant dense<0x7F800000> : vector<512xf32>
    %reduce_min3A_426 = vector.multi_reduction <minimumf>, %sub3A_424, %reduce_min3A_425 [1] : vector<512x512xf32> to vector<512xf32>
    %broadcast_in_dim3A_427 = vector.shape_cast %reduce_min3A_426 : vector<512xf32> to vector<512x1xf32>
    %get3A_428 = arith.constant 0 : index
    %get3A_429 = arith.constant 6144 : index
    %get3A_430 = vector.load %arg5[%get3A_428, %get3A_429] : memref<1x8192xf32, #tpu.memory_space<vmem>>, vector<1x512xf32>
    %eq3A_431 = vector.broadcast %broadcast_in_dim3A_427 : vector<512x1xf32> to vector<512x512xf32>
    %eq3A_432 = arith.cmpf oeq, %sub3A_424, %eq3A_431 : vector<512x512xf32>
    %jit3A_433 = arith.constant 6.553600e+04 : f32
    %broadcast_in_dim3A_434 = vector.shape_cast %get3A_430 : vector<1x512xf32> to vector<1x512xf32>
    %broadcast_in_dim3A_435 = vector.broadcast %broadcast_in_dim3A_434 : vector<1x512xf32> to vector<512x512xf32>
    %broadcast_in_dim3A_436 = vector.broadcast %jit3A_433 : f32 to vector<512x512xf32>
    %select_n3A_437 = arith.select %eq3A_432, %broadcast_in_dim3A_435, %broadcast_in_dim3A_436 : vector<512x512xi1>, vector<512x512xf32>
    %reduce_min3A_438 = arith.constant dense<0x7F800000> : vector<512xf32>
    %reduce_min3A_439 = vector.multi_reduction <minimumf>, %select_n3A_437, %reduce_min3A_438 [1] : vector<512x512xf32> to vector<512xf32>
    %broadcast_in_dim3A_440 = vector.shape_cast %reduce_min3A_439 : vector<512xf32> to vector<512x1xf32>
    %lt3A_441 = arith.cmpf olt, %broadcast_in_dim3A_427, %min3A_412 : vector<512x1xf32>
    %eq3A_442 = arith.cmpf oeq, %broadcast_in_dim3A_427, %min3A_412 : vector<512x1xf32>
    %lt3A_443 = arith.cmpf olt, %broadcast_in_dim3A_440, %select_n3A_411 : vector<512x1xf32>
    %and3A_444 = arith.andi %eq3A_442, %lt3A_443 : vector<512x1xi1>
    %or3A_445 = arith.ori %lt3A_441, %and3A_444 : vector<512x1xi1>
    %select_n3A_446 = arith.select %or3A_445, %broadcast_in_dim3A_440, %select_n3A_411 : vector<512x1xi1>, vector<512x1xf32>
    %min3A_447 = arith.minimumf %broadcast_in_dim3A_427, %min3A_412 : vector<512x1xf32>
    %get3A_448 = arith.constant 0 : index
    %get3A_449 = arith.constant 6656 : index
    %get3A_450 = vector.load %arg2[%get3A_448, %get3A_449] : memref<32x8192xf32, #tpu.memory_space<vmem>>, vector<32x512xf32>
    %dot_general3A_451 = arith.constant dense<0.000000e+00> : vector<512x512xf32>
    %dot_general3A_452 = tpu.matmul %get3A_1, %get3A_450, %dot_general3A_451 {dimension_numbers = #tpu.dot_dimension_numbers<[1], [0], [0], [1], [0, 0, 1, 1], [], []>, transpose_lhs_hint = false} : vector<512x32xf32>, vector<32x512xf32>, vector<512x512xf32> -> vector<512x512xf32>
    %get3A_453 = arith.constant 0 : index
    %get3A_454 = arith.constant 6656 : index
    %get3A_455 = vector.load %arg4[%get3A_453, %get3A_454] : memref<1x8192xf32, #tpu.memory_space<vmem>>, vector<1x512xf32>
    %add3A_456 = vector.broadcast %get3A_4 : vector<512x1xf32> to vector<512x512xf32>
    %add3A_457 = vector.broadcast %get3A_455 : vector<1x512xf32> to vector<512x512xf32>
    %add3A_458 = arith.addf %add3A_456, %add3A_457 : vector<512x512xf32>
    %sub3A_459 = arith.subf %add3A_458, %dot_general3A_452 : vector<512x512xf32>
    %reduce_min3A_460 = arith.constant dense<0x7F800000> : vector<512xf32>
    %reduce_min3A_461 = vector.multi_reduction <minimumf>, %sub3A_459, %reduce_min3A_460 [1] : vector<512x512xf32> to vector<512xf32>
    %broadcast_in_dim3A_462 = vector.shape_cast %reduce_min3A_461 : vector<512xf32> to vector<512x1xf32>
    %get3A_463 = arith.constant 0 : index
    %get3A_464 = arith.constant 6656 : index
    %get3A_465 = vector.load %arg5[%get3A_463, %get3A_464] : memref<1x8192xf32, #tpu.memory_space<vmem>>, vector<1x512xf32>
    %eq3A_466 = vector.broadcast %broadcast_in_dim3A_462 : vector<512x1xf32> to vector<512x512xf32>
    %eq3A_467 = arith.cmpf oeq, %sub3A_459, %eq3A_466 : vector<512x512xf32>
    %jit3A_468 = arith.constant 6.553600e+04 : f32
    %broadcast_in_dim3A_469 = vector.shape_cast %get3A_465 : vector<1x512xf32> to vector<1x512xf32>
    %broadcast_in_dim3A_470 = vector.broadcast %broadcast_in_dim3A_469 : vector<1x512xf32> to vector<512x512xf32>
    %broadcast_in_dim3A_471 = vector.broadcast %jit3A_468 : f32 to vector<512x512xf32>
    %select_n3A_472 = arith.select %eq3A_467, %broadcast_in_dim3A_470, %broadcast_in_dim3A_471 : vector<512x512xi1>, vector<512x512xf32>
    %reduce_min3A_473 = arith.constant dense<0x7F800000> : vector<512xf32>
    %reduce_min3A_474 = vector.multi_reduction <minimumf>, %select_n3A_472, %reduce_min3A_473 [1] : vector<512x512xf32> to vector<512xf32>
    %broadcast_in_dim3A_475 = vector.shape_cast %reduce_min3A_474 : vector<512xf32> to vector<512x1xf32>
    %lt3A_476 = arith.cmpf olt, %broadcast_in_dim3A_462, %min3A_447 : vector<512x1xf32>
    %eq3A_477 = arith.cmpf oeq, %broadcast_in_dim3A_462, %min3A_447 : vector<512x1xf32>
    %lt3A_478 = arith.cmpf olt, %broadcast_in_dim3A_475, %select_n3A_446 : vector<512x1xf32>
    %and3A_479 = arith.andi %eq3A_477, %lt3A_478 : vector<512x1xi1>
    %or3A_480 = arith.ori %lt3A_476, %and3A_479 : vector<512x1xi1>
    %select_n3A_481 = arith.select %or3A_480, %broadcast_in_dim3A_475, %select_n3A_446 : vector<512x1xi1>, vector<512x1xf32>
    %min3A_482 = arith.minimumf %broadcast_in_dim3A_462, %min3A_447 : vector<512x1xf32>
    %get3A_483 = arith.constant 0 : index
    %get3A_484 = arith.constant 7168 : index
    %get3A_485 = vector.load %arg2[%get3A_483, %get3A_484] : memref<32x8192xf32, #tpu.memory_space<vmem>>, vector<32x512xf32>
    %dot_general3A_486 = arith.constant dense<0.000000e+00> : vector<512x512xf32>
    %dot_general3A_487 = tpu.matmul %get3A_1, %get3A_485, %dot_general3A_486 {dimension_numbers = #tpu.dot_dimension_numbers<[1], [0], [0], [1], [0, 0, 1, 1], [], []>, transpose_lhs_hint = false} : vector<512x32xf32>, vector<32x512xf32>, vector<512x512xf32> -> vector<512x512xf32>
    %get3A_488 = arith.constant 0 : index
    %get3A_489 = arith.constant 7168 : index
    %get3A_490 = vector.load %arg4[%get3A_488, %get3A_489] : memref<1x8192xf32, #tpu.memory_space<vmem>>, vector<1x512xf32>
    %add3A_491 = vector.broadcast %get3A_4 : vector<512x1xf32> to vector<512x512xf32>
    %add3A_492 = vector.broadcast %get3A_490 : vector<1x512xf32> to vector<512x512xf32>
    %add3A_493 = arith.addf %add3A_491, %add3A_492 : vector<512x512xf32>
    %sub3A_494 = arith.subf %add3A_493, %dot_general3A_487 : vector<512x512xf32>
    %reduce_min3A_495 = arith.constant dense<0x7F800000> : vector<512xf32>
    %reduce_min3A_496 = vector.multi_reduction <minimumf>, %sub3A_494, %reduce_min3A_495 [1] : vector<512x512xf32> to vector<512xf32>
    %broadcast_in_dim3A_497 = vector.shape_cast %reduce_min3A_496 : vector<512xf32> to vector<512x1xf32>
    %get3A_498 = arith.constant 0 : index
    %get3A_499 = arith.constant 7168 : index
    %get3A_500 = vector.load %arg5[%get3A_498, %get3A_499] : memref<1x8192xf32, #tpu.memory_space<vmem>>, vector<1x512xf32>
    %eq3A_501 = vector.broadcast %broadcast_in_dim3A_497 : vector<512x1xf32> to vector<512x512xf32>
    %eq3A_502 = arith.cmpf oeq, %sub3A_494, %eq3A_501 : vector<512x512xf32>
    %jit3A_503 = arith.constant 6.553600e+04 : f32
    %broadcast_in_dim3A_504 = vector.shape_cast %get3A_500 : vector<1x512xf32> to vector<1x512xf32>
    %broadcast_in_dim3A_505 = vector.broadcast %broadcast_in_dim3A_504 : vector<1x512xf32> to vector<512x512xf32>
    %broadcast_in_dim3A_506 = vector.broadcast %jit3A_503 : f32 to vector<512x512xf32>
    %select_n3A_507 = arith.select %eq3A_502, %broadcast_in_dim3A_505, %broadcast_in_dim3A_506 : vector<512x512xi1>, vector<512x512xf32>
    %reduce_min3A_508 = arith.constant dense<0x7F800000> : vector<512xf32>
    %reduce_min3A_509 = vector.multi_reduction <minimumf>, %select_n3A_507, %reduce_min3A_508 [1] : vector<512x512xf32> to vector<512xf32>
    %broadcast_in_dim3A_510 = vector.shape_cast %reduce_min3A_509 : vector<512xf32> to vector<512x1xf32>
    %lt3A_511 = arith.cmpf olt, %broadcast_in_dim3A_497, %min3A_482 : vector<512x1xf32>
    %eq3A_512 = arith.cmpf oeq, %broadcast_in_dim3A_497, %min3A_482 : vector<512x1xf32>
    %lt3A_513 = arith.cmpf olt, %broadcast_in_dim3A_510, %select_n3A_481 : vector<512x1xf32>
    %and3A_514 = arith.andi %eq3A_512, %lt3A_513 : vector<512x1xi1>
    %or3A_515 = arith.ori %lt3A_511, %and3A_514 : vector<512x1xi1>
    %select_n3A_516 = arith.select %or3A_515, %broadcast_in_dim3A_510, %select_n3A_481 : vector<512x1xi1>, vector<512x1xf32>
    %min3A_517 = arith.minimumf %broadcast_in_dim3A_497, %min3A_482 : vector<512x1xf32>
    %get3A_518 = arith.constant 0 : index
    %get3A_519 = arith.constant 7680 : index
    %get3A_520 = vector.load %arg2[%get3A_518, %get3A_519] : memref<32x8192xf32, #tpu.memory_space<vmem>>, vector<32x512xf32>
    %dot_general3A_521 = arith.constant dense<0.000000e+00> : vector<512x512xf32>
    %dot_general3A_522 = tpu.matmul %get3A_1, %get3A_520, %dot_general3A_521 {dimension_numbers = #tpu.dot_dimension_numbers<[1], [0], [0], [1], [0, 0, 1, 1], [], []>, transpose_lhs_hint = false} : vector<512x32xf32>, vector<32x512xf32>, vector<512x512xf32> -> vector<512x512xf32>
    %get3A_523 = arith.constant 0 : index
    %get3A_524 = arith.constant 7680 : index
    %get3A_525 = vector.load %arg4[%get3A_523, %get3A_524] : memref<1x8192xf32, #tpu.memory_space<vmem>>, vector<1x512xf32>
    %add3A_526 = vector.broadcast %get3A_4 : vector<512x1xf32> to vector<512x512xf32>
    %add3A_527 = vector.broadcast %get3A_525 : vector<1x512xf32> to vector<512x512xf32>
    %add3A_528 = arith.addf %add3A_526, %add3A_527 : vector<512x512xf32>
    %sub3A_529 = arith.subf %add3A_528, %dot_general3A_522 : vector<512x512xf32>
    %reduce_min3A_530 = arith.constant dense<0x7F800000> : vector<512xf32>
    %reduce_min3A_531 = vector.multi_reduction <minimumf>, %sub3A_529, %reduce_min3A_530 [1] : vector<512x512xf32> to vector<512xf32>
    %broadcast_in_dim3A_532 = vector.shape_cast %reduce_min3A_531 : vector<512xf32> to vector<512x1xf32>
    %get3A_533 = arith.constant 0 : index
    %get3A_534 = arith.constant 7680 : index
    %get3A_535 = vector.load %arg5[%get3A_533, %get3A_534] : memref<1x8192xf32, #tpu.memory_space<vmem>>, vector<1x512xf32>
    %eq3A_536 = vector.broadcast %broadcast_in_dim3A_532 : vector<512x1xf32> to vector<512x512xf32>
    %eq3A_537 = arith.cmpf oeq, %sub3A_529, %eq3A_536 : vector<512x512xf32>
    %jit3A_538 = arith.constant 6.553600e+04 : f32
    %broadcast_in_dim3A_539 = vector.shape_cast %get3A_535 : vector<1x512xf32> to vector<1x512xf32>
    %broadcast_in_dim3A_540 = vector.broadcast %broadcast_in_dim3A_539 : vector<1x512xf32> to vector<512x512xf32>
    %broadcast_in_dim3A_541 = vector.broadcast %jit3A_538 : f32 to vector<512x512xf32>
    %select_n3A_542 = arith.select %eq3A_537, %broadcast_in_dim3A_540, %broadcast_in_dim3A_541 : vector<512x512xi1>, vector<512x512xf32>
    %reduce_min3A_543 = arith.constant dense<0x7F800000> : vector<512xf32>
    %reduce_min3A_544 = vector.multi_reduction <minimumf>, %select_n3A_542, %reduce_min3A_543 [1] : vector<512x512xf32> to vector<512xf32>
    %broadcast_in_dim3A_545 = vector.shape_cast %reduce_min3A_544 : vector<512xf32> to vector<512x1xf32>
    %lt3A_546 = arith.cmpf olt, %broadcast_in_dim3A_532, %min3A_517 : vector<512x1xf32>
    %eq3A_547 = arith.cmpf oeq, %broadcast_in_dim3A_532, %min3A_517 : vector<512x1xf32>
    %lt3A_548 = arith.cmpf olt, %broadcast_in_dim3A_545, %select_n3A_516 : vector<512x1xf32>
    %and3A_549 = arith.andi %eq3A_547, %lt3A_548 : vector<512x1xi1>
    %or3A_550 = arith.ori %lt3A_546, %and3A_549 : vector<512x1xi1>
    %select_n3A_551 = arith.select %or3A_550, %broadcast_in_dim3A_545, %select_n3A_516 : vector<512x1xi1>, vector<512x1xf32>
    %min3A_552 = arith.minimumf %broadcast_in_dim3A_532, %min3A_517 : vector<512x1xf32>
    %squeeze3A_553 = vector.shape_cast %min3A_552 : vector<512x1xf32> to vector<512xf32>
    %squeeze3A_554 = vector.shape_cast %select_n3A_551 : vector<512x1xf32> to vector<512xf32>
    %lt3A_555 = arith.cmpf olt, %squeeze3A_553, %bitcast_convert_type3A_279 : vector<512xf32>
    %eq3A_556 = arith.cmpf oeq, %squeeze3A_553, %bitcast_convert_type3A_279 : vector<512xf32>
    %lt3A_557 = arith.cmpf olt, %squeeze3A_554, %squeeze3A_266 : vector<512xf32>
    %and3A_558 = arith.andi %eq3A_556, %lt3A_557 : vector<512xi1>
    %or3A_559 = arith.ori %lt3A_555, %and3A_558 : vector<512xi1>
    %select_n3A_560 = arith.select %or3A_559, %squeeze3A_554, %squeeze3A_266 : vector<512xi1>, vector<512xf32>
    %select_n3A_561 = arith.select %lt3A_555, %squeeze3A_553, %squeeze3A : vector<512xi1>, vector<512xf32>
    %convert_element_type3A = arith.fptosi %select_n3A_560 : vector<512xf32> to vector<512xi32>
    %swap3A = arith.constant 0 : index
    %swap3A_562 = arith.constant 0 : index
    %swap3A_563 = arith.constant 0 : index
    %swap3A_564 = vector.load %arg6[%swap3A, %swap3A_562, %swap3A_563] : memref<1x1x512xi32, #tpu.memory_space<vmem>>, vector<1x1x512xi32>
    %swap3A_565 = vector.shape_cast %swap3A_564 : vector<1x1x512xi32> to vector<512xi32>
    %swap3A_566 = vector.shape_cast %convert_element_type3A : vector<512xi32> to vector<1x1x512xi32>
    tpu.vector_store %arg6[%swap3A, %swap3A_562, %swap3A_563], %swap3A_566 {strides = array<i32>} : memref<1x1x512xi32, #tpu.memory_space<vmem>>, vector<1x1x512xi32>,
    %reduce_sum3A = vector.shape_cast %select_n3A_561 : vector<512xf32> to vector<1x512xf32>
    %reduce_sum3A_567 = arith.constant dense<0.000000e+00> : vector<1xf32>
    %reduce_sum3A_568 = vector.multi_reduction <add>, %reduce_sum3A, %reduce_sum3A_567 [1] : vector<1x512xf32> to vector<1xf32>
    %reduce_sum3A_569 = vector.shape_cast %reduce_sum3A_568 : vector<1xf32> to vector<1x1xf32>
    %reduce_sum3A_570 = vector.extract %reduce_sum3A_569[0, 0] : f32 from vector<1x1xf32>
    %reshape3A = vector.broadcast %reduce_sum3A_570 : f32 to vector<1xf32>
    %swap3A_571 = arith.constant 0 : index
    %swap3A_572 = arith.constant 0 : index
    %swap3A_573 = arith.constant 0 : index
    %swap3A_574 = vector.load %arg7[%swap3A_571, %swap3A_572, %swap3A_573] : memref<1x1x1xf32, #tpu.memory_space<vmem>>, vector<1x1x1xf32>
    %swap3A_575 = vector.shape_cast %swap3A_574 : vector<1x1x1xf32> to vector<1xf32>
    %swap3A_576 = vector.shape_cast %reshape3A : vector<1xf32> to vector<1x1x1xf32>
    tpu.vector_store %arg7[%swap3A_571, %swap3A_572, %swap3A_573], %swap3A_576 {strides = array<i32>} : memref<1x1x1xf32, #tpu.memory_space<vmem>>, vector<1x1x1xf32>,
    return
  }
  func.func @transform_0(%arg0: i32) -> (i32, i32) {
    %c0_i32 = arith.constant 0 : i32
    %c0_i32_0 = arith.constant 0 : i32
    return %arg0, %c0_i32 : i32, i32
  }
  func.func @transform_1(%arg0: i32) -> (i32, i32) {
    %c0_i32 = arith.constant 0 : i32
    %c0_i32_0 = arith.constant 0 : i32
    %c0_i32_1 = arith.constant 0 : i32
    return %c0_i32, %c0_i32_0 : i32, i32
  }
  func.func @transform_2(%arg0: i32) -> (i32, i32) {
    %c0_i32 = arith.constant 0 : i32
    %c0_i32_0 = arith.constant 0 : i32
    return %arg0, %c0_i32 : i32, i32
  }
  func.func @transform_3(%arg0: i32) -> (i32, i32) {
    %c0_i32 = arith.constant 0 : i32
    %c0_i32_0 = arith.constant 0 : i32
    %c0_i32_1 = arith.constant 0 : i32
    return %c0_i32, %c0_i32_0 : i32, i32
  }
  func.func @transform_4(%arg0: i32) -> (i32, i32) {
    %c0_i32 = arith.constant 0 : i32
    %c0_i32_0 = arith.constant 0 : i32
    %c0_i32_1 = arith.constant 0 : i32
    return %c0_i32, %c0_i32_0 : i32, i32
  }
  func.func @transform_5(%arg0: i32) -> (i32, i32, i32) {
    %c0_i32 = arith.constant 0 : i32
    %c0_i32_0 = arith.constant 0 : i32
    %c0_i32_1 = arith.constant 0 : i32
    return %arg0, %c0_i32, %c0_i32_0 : i32, i32, i32
  }
  func.func @transform_6(%arg0: i32) -> (i32, i32, i32) {
    %c0_i32 = arith.constant 0 : i32
    %c0_i32_0 = arith.constant 0 : i32
    %c0_i32_1 = arith.constant 0 : i32
    return %arg0, %c0_i32, %c0_i32_0 : i32, i32, i32
  }
}

</mosaic_0001>

<sc_bundles>
// kernel: kernel.4.cloned.1.call-start
scs
__scs_entry_jumppad:
0x0: {  	(pc) =	sbr.rel $0x88, $3  }
0x1: {  	(tag) =	ssettag $0x0;
	lr =	simm.s32 $0x1  }
0x2: {  	[smem:$0x3F9F] =	sst lr;
	_ =	strace $0xD0000000  }
0x3: {  	_ = 	snop  }
0x4: {  	_ = 	snop  }
0x5: {  	_ = 	snop  }
0x6: {  	_ = 	snop  }
0x7: {  	_ = 	snop  }
__scs_overlays_trampoline_lowered:
0x8: {  	[smem:$0x3FAE] =	sst s0  }
0x9: {  	[smem:$0x3FAF] =	sst s1  }
0xa: {  	[smem:$0x3FB0] =	sst s2  }
0xb: {  	[smem:$0x3FB1] =	sst s3  }
0xc: {  	[smem:$0x3FB2] =	sst s4  }
0xd: {  	[smem:$0x3FB3] =	sst s5  }
0xe: {  	[smem:$0x3FB4] =	sst s6  }
0xf: {  	[smem:$0x3FB5] =	sst s7  }
0x10: {  	[smem:$0x3FB6] =	sst s8  }
0x11: {  	[smem:$0x3FB7] =	sst s9;
	s0 =	simm.s32 @!p0 $0x0  }
0x12: {  	s1 =	sld [smem:$0x3F9D];
	s0 =	simm.s32 @p0 $0x1  }
0x13: {  	[smem:$0x3FB8] =	sst s0;
	s0 =	simm.s32 @!p1 $0x0  }
0x14: {  	s2 =	sld [smem:$0x3F9C];
	s0 =	simm.s32 @p1 $0x1  }
0x15: {  	[smem:$0x3FB9] =	sst s0;
	s0 =	simm.s32 @!p2 $0x0  }
0x16: {  	s3 =	sld [smem:$0x3FDB];
	s0 =	simm.s32 @p2 $0x1  }
0x17: {  	s4 =	simm.s32 $0x1BF5;
	[smem:$0x3FBB] =	sst s0  }
0x18: {  	s0 =	sld [smem:$0x3F9E];
	_ =	swait.ge [sflag:s4], $0x0  }
0x19: {  	s7 =	sld [smem:$0x3F9F]  }
0x1a: {  	s8 =	sadd.s32 $0xFFFFE003, lr  }
0x1b: {  	s9 =	sadd.s32 $0xFFFFFEF7, lr;
	s5 =	simm.s32 $0xFFFFFFFF;
	p2 =	slt.u32 s8, $0xFFFFF086  }
0x1c: {  	p1 =	slt.u32 s9, $0xF7A;
	s5 =	simm.s32 @!p2 $0x0  }
0x1d: {  	s5 =	simm.s32 @p1 $0x1;
	p0 =	seq.s32 s7, s2  }
0x1e: {  	s7 =	smul.u32 @!p0 $0xF7A, s2;
	p2 =	seq.s32 @!p0 s5, $0x0  }
0x1f: {  	s9 =	smul.u32 $0xF7A, s1;
	s8 =	simm.s32 @!p0 $0x1BF5;
	p2 =	por !p2, p0  }
0x20: {  	[sflag:s8] =	ssyncset.s32 @!p0 $0xFFFFF086;
	s6 =	sadd.s32 @!p0 s3, s7;
	s7 =	simm.s32 @!p0 $0x108  }
0x21: {  	s3 =	sadd.s32 s3, s9;
	s6 =	sadd.s32 @!p0 $0x88, s6;
	s7 =	simm.s32 @p2 $0x1082  }
0x22: {  	[simem:s7], [sflag:s8] =	dma.local @!p0 [hbm:s6], $0xF7A  }
0x23: {  	s9 =	sor.u32 $0xD0000000, s2;
	s6 =	simm.s32 $0x108;
	_ =	swait.ge @!p0 [sflag:s8], $0x0  }
0x24: {  	s3 =	sadd.s32 $0x88, s3;
	s6 =	simm.s32 @!p1 $0x1082;
	[sflag:s4] =	ssyncset.s32 $0xFFFFF086  }
0x25: {  	[simem:s6], [sflag:s4] =	dma.local [hbm:s3], $0xF7A  }
0x26: {  	[smem:$0x3F9F] =	sst s1;
	(tag) =	ssettag s2;
	_ =	strace s9  }
0x27: {  	s1 =	sld [smem:$0x3FAF]  }
0x28: {  	s2 =	sld [smem:$0x3FB0]  }
0x29: {  	s4 =	sld [smem:$0x3FB2]  }
0x2a: {  	p0 =	seq.s32 s5, $0x0;
	s5 =	sld [smem:$0x3FB3]  }
0x2b: {  	s6 =	sld [smem:$0x3FB4]  }
0x2c: {  	s7 =	sld [smem:$0x3FB5]  }
0x2d: {  	s3 =	simm.s32 $0x108;
	s8 =	sld [smem:$0x3FB6]  }
0x2e: {  	s3 =	simm.s32 @!p0 $0x1082;
	s9 =	sld [smem:$0x3FB7]  }
0x2f: {  	lr =	sadd.s32 s0, s3;
	s0 =	sld [smem:$0x3FAE]  }
0x30: {  	s3 =	sld [smem:$0x3FB1]  }
0x31: {  	[smem:$0x3FBA] =	sst s10  }
0x32: {  	s10 =	sld [smem:$0x3FB8];
	_ =	sdelay $0x3  }
0x33: {  	p0 =	seq.s32 s10, $0x1;
	s10 =	sld [smem:$0x3FBA];
	_ =	sdelay $0x3  }
0x34: {  	[smem:$0x3FBA] =	sst s10  }
0x35: {  	s10 =	sld [smem:$0x3FB9];
	_ =	sdelay $0x3  }
0x36: {  	p1 =	seq.s32 s10, $0x1;
	s10 =	sld [smem:$0x3FBA];
	_ =	sdelay $0x3  }
0x37: {  	[smem:$0x3FBA] =	sst s10  }
0x38: {  	s10 =	sld [smem:$0x3FBB]  }
0x39: {  	_ = 	snop;
	(pc) =	sbr.ind lr, $3  }
0x3a: {  	_ = 	snop  }
0x3b: {  	_ = 	snop  }
0x3c: {  	p2 =	seq.s32 s10, $0x1;
	s10 =	sld [smem:$0x3FBA]  }
0x3d: {  	_ =	shalt  }
0x3e: {  	_ =	shalt  }
0x3f: {  	_ =	shalt  }
0x40: {  	_ =	shalt  }
0x41: {  	_ =	shalt  }
0x42: {  	_ =	shalt  }
0x43: {  	_ =	shalt  }
0x44: {  	_ =	shalt  }
0x45: {  	_ =	shalt  }
0x46: {  	_ =	shalt  }
0x47: {  	_ =	shalt  }
0x48: {  	_ =	shalt  }
0x49: {  	_ =	shalt  }
0x4a: {  	_ =	shalt  }
0x4b: {  	_ =	shalt  }
0x4c: {  	_ =	shalt  }
0x4d: {  	_ =	shalt  }
0x4e: {  	_ =	shalt  }
0x4f: {  	_ =	shalt  }
0x50: {  	_ =	shalt  }
0x51: {  	_ =	shalt  }
0x52: {  	_ =	shalt  }
0x53: {  	_ =	shalt  }
0x54: {  	_ =	shalt  }
0x55: {  	_ =	shalt  }
0x56: {  	_ =	shalt  }
0x57: {  	_ =	shalt  }
0x58: {  	_ =	shalt  }
0x59: {  	_ =	shalt  }
0x5a: {  	_ =	shalt  }
0x5b: {  	_ =	shalt  }
0x5c: {  	_ =	shalt  }
0x5d: {  	_ =	shalt  }
0x5e: {  	_ =	shalt  }
0x5f: {  	_ =	shalt  }
0x60: {  	_ =	shalt  }
0x61: {  	_ =	shalt  }
0x62: {  	_ =	shalt  }
0x63: {  	_ =	shalt  }
0x64: {  	_ =	shalt  }
0x65: {  	_ =	shalt  }
0x66: {  	_ =	shalt  }
0x67: {  	_ =	shalt  }
0x68: {  	_ =	shalt  }
0x69: {  	_ =	shalt  }
0x6a: {  	_ =	shalt  }
0x6b: {  	_ =	shalt  }
0x6c: {  	_ =	shalt  }
0x6d: {  	_ =	shalt  }
0x6e: {  	_ =	shalt  }
0x6f: {  	_ =	shalt  }
0x70: {  	_ =	shalt  }
0x71: {  	_ =	shalt  }
0x72: {  	_ =	shalt  }
0x73: {  	_ =	shalt  }
0x74: {  	_ =	shalt  }
0x75: {  	_ =	shalt  }
0x76: {  	_ =	shalt  }
0x77: {  	_ =	shalt  }
0x78: {  	_ =	shalt  }
0x79: {  	_ =	shalt  }
0x7a: {  	_ =	shalt  }
0x7b: {  	_ =	shalt  }
0x7c: {  	_ =	shalt  }
0x7d: {  	_ =	shalt  }
0x7e: {  	_ =	shalt  }
0x7f: {  	_ =	shalt  }
0x80: {  	_ =	shalt  }
0x81: {  	_ =	shalt  }
0x82: {  	_ =	shalt  }
0x83: {  	_ =	shalt  }
0x84: {  	_ =	shalt  }
0x85: {  	_ =	shalt  }
0x86: {  	_ =	shalt  }
0x87: {  	_ =	shalt  }
.Lfunc_end0:
.L_simem_size_0:
called_computation_lowered:
.L_overlay_start_0:
0x88: {  	s2 =	sld [smem:$0x3FD9]  }
0x89: {  	s3 =	sld [smem:$0x3FFE];
	_ =	sdelay $0x1  }
0x8a: {  	s1 =	srdreg.scid  }
0x8b: {  	s0 =	sand.u32 $0x1, s1  }
0x8c: {  	s14 =	sshll.u32 s0, $0xA;
	s2 =	sadd.s32 s3, s2  }
0x8d: {  	s2 =	sadd.s32 s2, s14  }
0x8e: {  	[smem:$0x3FC6] =	sst s2  }
0x8f: {  	_ = 	snop  }
0x90: {  	s2 =	sld [smem:$0x3FD0];
	_ =	sdelay $0x2  }
0x91: {  	s15 =	simm.s32 $0xA;
	s4 =	simm.s32 $0x10  }
0x92: {  	[smem:s4], [sflag:s15] =	dma.local [hbm:s2], $0x1  }
0x93: {  	_ =	swait.eq [sflag:s15], $0x1  }
0x94: {  	[sflag:s15] =	ssyncset.done $0x0  }
0x95: {  	[sflag:s15] =	ssyncadd.s32 $0xFFFFFFFF  }
0x96: {  	s16 =	sld [smem:$0x10];
	(tm) =	ssettm $0x1  }
0x97: {  	s17 =	sld [smem:$0x3FFB];
	_ =	sdelay $0x3  }
0x98: {  	_ =	strace s17  }
0x99: {  	s3 =	sld [smem:$0x3FFC];
	_ =	sdelay $0x3  }
0x9a: {  	_ =	strace s3  }
0x9b: {  	s3 =	sld [smem:$0x3FFD];
	_ =	sdelay $0x3  }
0x9c: {  	_ =	strace s3  }
0x9d: {  	_ =	strace $0x8FFFFFFF  }
0x9e: {  	s18 =	sld [smem:$0x3FDB];
	_ =	sdelay $0x1  }
0x9f: {  	s19 =	simm.s32 $_scs_section_size  }
0xa0: {  	s5 =	simm.s32 $_size__tile_overlayer_lowered;
	s6 =	simm.s32 $_tile_overlayer_lowered  }
0xa1: {  	s22 =	simm.s32 $0x1BFF;
	s21 =	sshll.u32 s6, $0x1;
	s3 =	sadd.s32 s19, s18  }
0xa2: {  	s7 =	simm.s32 $0x0;
	s20 =	sshll.u32 s5, $0x1;
	s5 =	sadd.s32 s21, s3  }
0xa3: {  	[timem:s7], [sflag:s22] =	dma.local [hbm:s5], s20  }
0xa4: {  	_ =	swait.ge [sflag:s22], s20  }
0xa5: {  	s4 =	ssub.s32 $0x0, s20;
	[sflag:s22] =	ssyncset.done $0x0  }
0xa6: {  	[sflag:s22] =	ssyncadd.s32 s4;
	_ =	sdelay $0x1  }
0xa7: {  	s23 =	simm.s32 $0x1B8B  }
0xa8: {  	_ =	swait.ge [sflag:s23], $0x1  }
0xa9: {  	[sflag:s23] =	ssyncset.done $0x0  }
0xaa: {  	s25 =	simm.s32 $0x1B8E;
	s24 =	sld [smem:$0x3FFE];
	[sflag:s23] =	ssyncadd.s32 $0xFFFFFFFF  }
0xab: {  	s26 =	simm.s32 $execute0_lowered;
	[smem:$0x3FD2] =	sst s25  }
0xac: {  	s5 =	sshll.u32 s26, $0x1;
	_ =	strace $0x80000046;
	[dreg:$0x1] =	wrdreg $0xFFFFFFFF  }
0xad: {  	s28 =	simm.s32 $_size_execute0_lowered;
	s3 =	sadd.s32 s3, s5;
	[dreg:$0x0] =	wrdreg $0x0  }
0xae: {  	s5 =	sshll.u32 s28, $0x1;
	[dreg:$0x2] =	wrdreg s3  }
0xaf: {  	[dreg:$0x3] =	wrdreg s5  }
0xb0: {  	[dreg:$0x4] =	wrdreg $0xC0  }
0xb1: {  	_ =	task [dreg:s7], $0x5FFFF  }
0xb2: {  	[dreg:$0x1] =	wrdreg $0xFFFFFFFF  }
0xb3: {  	[dreg:$0x0] =	wrdreg $0x60  }
0xb4: {  	[dreg:$0x2] =	wrdreg s24  }
0xb5: {  	[dreg:$0x3] =	wrdreg s16  }
0xb6: {  	[dreg:$0x4] =	wrdreg $0x9  }
0xb7: {  	_ =	task.clear_ibuf [dreg:s7], $0x5FFFF;
	_ =	strace $0x90000046  }
0xb8: {  	s29 =	simm.s32 $0x9;
	_ =	strace $0x80000048  }
0xb9: {  	_ =	swait.ge [sflag:s29], $0x1  }
0xba: {  	[sflag:s29] =	ssyncadd.s32 $0xFFFFFFFF  }
0xbb: {  	_ =	strace $0x90000048  }
0xbc: {  	_ =	sfence  }
0xbd: {  	s30 =	sld [smem:$0x0];
	_ =	sdelay $0x2  }
0xbe: {  	s31 =	sshll.u32 s1, $0xD;
	s1 =	sshrl.u32 s1, $0x2  }
0xbf: {  	s3 =	sand.u32 $0x4000, s31;
	s1 =	sadd.s32 s1, s30  }
0xc0: {  	s0 =	sor.u32 s3, s0;
	s1 =	sshll.u32 s1, $0x11  }
0xc1: {  	s0 =	sor.u32 s1, s0  }
0xc2: {  	s0 =	sadd.s32 $0x8F2B, s0  }
0xc3: {  	[sflag:s0] =	ssyncadd.remote.s32 $0x1  }
0xc4: {  	_ =	sfence.sel $0xFFFF  }
0xc5: {  	[dreg:$0x0] =	wrdreg $0xFFFFFFFF;
	(pc) =	sbr.abs _section_cstart, $3  }
0xc6: {  	[dreg:$0x1] =	wrdreg $0xFFFFFFFF  }
0xc7: {  	_ =	task.clear_ibuf [dreg:s7], $0x2FFFF;
	_ =	strace $0x9FFFFFFF  }
0xc8: {  	(tm) =	ssettm $0x7FFFFFFF  }
0xc9: {  	_ =	shalt  }
tec
execute0_lowered:
.L_overlay_start_1:
0x0: {  	(tag) =	ssettag $0x1  }
0x1: {  	s1 =	srdreg.scid  }
0x2: {  	s0 =	stileid.u32;
	s12 =	sand.u32 $0x1, s1  }
0x3: {  	s2 =	rddreg [dreg:$0x0];
	s30 =	sshll.u32 s0, $0x3;
	s3 =	sshll.u32 s12, $0x2  }
0x4: {  	s14 =	rddreg [dreg:$0x1];
	s15 =	sor.u32 s3, s30  }
0x5: {  	s1 =	rddreg [dreg:$0x2];
	s3 =	simm.s32 $0x0;
	s4 =	sshll.u32 s15, $0x4  }
0x6: {  	[smem:$0x7FF] =	sst s3;
	s4 =	sadd.s32 s4, s2  }
0x7: {  	_ =	strace $0x80000047;
	s5 =	sadd.s32 $0x8000, s4;
	s4 =	simm.s32 $0x2  }
0x8: {  	[tilespmem:s3], [sflag:$0x2] =	stream.linear.gather [hbm4b:s5+s3], $0x200, $0x38;
	[tilespmem:$0x4200] =	vst v63  }
0x9: {  	_ =	swait.ge [sflag:s4], $0x200  }
0xa: {  	s6 =	simm.s32 $0x80;
	[sflag:s4] =	ssyncset.done $0x0  }
0xb: {  	s7 =	simm.s32 $0x200;
	s8 =	simm.s32 $0x1;
	[sflag:s4] =	ssyncadd.s32 $0xFFFFFE00  }
0xc: {  	[tilespmem:s7], [sflag:$0x1] =	stream.indirect.gather [hbm4b:s2+s6], $0x20, s3, s6, $0xb8;
	[tilespmem:$0x4200] =	vst v63  }
0xd: {  	_ =	swait.ge [sflag:s8], $0x1000  }
0xe: {  	[sflag:s8] =	ssyncset.done $0x0  }
0xf: {  	s9 =	simm.s32 $0x1200;
	[sflag:s8] =	ssyncadd.s32 $0xFFFFF000  }
0x10: {  	[tilespmem:s9], [sflag:$0x1] =	stream.indirect.gather [hbm4b:s2+s6], $0x20, s6, s6, $0xb8;
	[tilespmem:$0x4200] =	vst v63  }
0x11: {  	_ =	swait.ge [sflag:s8], $0x1000  }
0x12: {  	s10 =	simm.s32 $0x100;
	[sflag:s8] =	ssyncset.done $0x0  }
0x13: {  	s11 =	simm.s32 $0x2200;
	s16 =	ssub.s32 $0x2, s12;
	[sflag:s8] =	ssyncadd.s32 $0xFFFFF000  }
0x14: {  	[tilespmem:s11], [sflag:$0x1] =	stream.indirect.gather [hbm4b:s2+s6], $0x20, s10, s6, $0xb8;
	[tilespmem:$0x4200] =	vst v63  }
0x15: {  	s17 =	sshrl.u32 s16, $0x1;
	_ =	swait.ge [sflag:s8], $0x1000  }
0x16: {  	s13 =	simm.s32 $0x3200;
	s16 =	ssub.s32 s16, s17;
	[sflag:s8] =	ssyncset.done $0x0  }
0x17: {  	s12 =	simm.s32 $0x180;
	s31 =	smax.u32 s16, $0x1;
	[sflag:s8] =	ssyncadd.s32 $0xFFFFF000  }
0x18: {  	[tilespmem:s13], [sflag:$0x1] =	stream.indirect.gather [hbm4b:s2+s6], $0x20, s12, s6, $0xb8;
	[tilespmem:$0x4200] =	vst v63  }
0x19: {  	p0 =	sne.s32 s31, $0x1;
	_ =	swait.ge [sflag:s8], $0x1000  }
.Ltmp0:
0x1a: {  	s15 =	sshll.u32 s15, $0x9;
	[sflag:s8] =	ssyncset.done $0x0;
	(pc) =	sbr.rel @!p0 .LBB2_2-.Ltmp0, $4  }
0x1b: {  	s14 =	sadd.s32 s14, s15;
	[sflag:s8] =	ssyncadd.s32 $0xFFFFF000  }
0x1c: {  	[hbm4b:s14+s3] =	stream.linear.scatter [tilespmem:s7], [sflag:$0x2], $0x4000, $0x38;
	[tilespmem:$0x4200] =	vst v63  }
0x1d: {  	_ =	swait.ge [sflag:s4], $0x4000  }
0x1e: {  	s15 =	sadd.s32 $0xFFFFFFFF, s31;
	[sflag:s4] =	ssyncset.done $0x0  }
.LBB2_1:
0x1f: {  	p0 =	sne.s32 s15, $0x1;
	s15 =	sadd.s32 $0xFFFFFFFF, s15;
	[sflag:s4] =	ssyncadd.s32 $0xFFFFC000  }
0x20: {  	[tilespmem:s3], [sflag:$0x2] =	stream.linear.gather [hbm4b:s5+s3], $0x200, $0x38;
	[tilespmem:$0x4200] =	vst v63  }
0x21: {  	_ =	swait.ge [sflag:s4], $0x200  }
0x22: {  	[sflag:s4] =	ssyncset.done $0x0  }
0x23: {  	[sflag:s4] =	ssyncadd.s32 $0xFFFFFE00  }
0x24: {  	[tilespmem:s7], [sflag:$0x1] =	stream.indirect.gather [hbm4b:s2+s6], $0x20, s3, s6, $0xb8;
	[tilespmem:$0x4200] =	vst v63  }
0x25: {  	_ =	swait.ge [sflag:s8], $0x1000  }
0x26: {  	[sflag:s8] =	ssyncset.done $0x0  }
0x27: {  	[sflag:s8] =	ssyncadd.s32 $0xFFFFF000  }
0x28: {  	[tilespmem:s9], [sflag:$0x1] =	stream.indirect.gather [hbm4b:s2+s6], $0x20, s6, s6, $0xb8;
	[tilespmem:$0x4200] =	vst v63  }
0x29: {  	_ =	swait.ge [sflag:s8], $0x1000  }
0x2a: {  	[sflag:s8] =	ssyncset.done $0x0  }
0x2b: {  	[sflag:s8] =	ssyncadd.s32 $0xFFFFF000  }
0x2c: {  	[tilespmem:s11], [sflag:$0x1] =	stream.indirect.gather [hbm4b:s2+s6], $0x20, s10, s6, $0xb8;
	[tilespmem:$0x4200] =	vst v63  }
0x2d: {  	_ =	swait.ge [sflag:s8], $0x1000  }
0x2e: {  	[sflag:s8] =	ssyncset.done $0x0  }
0x2f: {  	[sflag:s8] =	ssyncadd.s32 $0xFFFFF000  }
0x30: {  	[tilespmem:s13], [sflag:$0x1] =	stream.indirect.gather [hbm4b:s2+s6], $0x20, s12, s6, $0xb8;
	[tilespmem:$0x4200] =	vst v63  }
0x31: {  	_ =	swait.ge [sflag:s8], $0x1000  }
.Ltmp1:
0x32: {  	[sflag:s8] =	ssyncset.done $0x0;
	(pc) =	sbr.rel @p0 .LBB2_1-.Ltmp1, $4  }
0x33: {  	[sflag:s8] =	ssyncadd.s32 $0xFFFFF000  }
0x34: {  	[hbm4b:s14+s3] =	stream.linear.scatter [tilespmem:s7], [sflag:$0x2], $0x4000, $0x38;
	[tilespmem:$0x4200] =	vst v63  }
0x35: {  	_ =	swait.ge [sflag:s4], $0x4000  }
0x36: {  	[sflag:s4] =	ssyncset.done $0x0  }
.LBB2_2:
0x37: {  	[sflag:s4] =	ssyncadd.s32 $0xFFFFC000  }
0x38: {  	_ =	sfence.sel $0x180000  }
0x39: {  	[bflag:$0x0] =	sbarrier.arrive $0xFFFF  }
0x3a: {  	p0 =	sne.s32 s0, $0x0;
	_ =	strace $0x90000047  }
0x3b: {  	s0 =	sadd.s32 @!p0 $0x100000, s1;
	[bflag:$0x2] =	sbarrier.arrive $0xFFFF  }
0x3c: {  	[sflag:s0] =	ssyncadd.tile.s32 @!p0 $0x1;
	_ =	shalt  }
.Lfunc_end2:
_tile_overlayer_lowered:
.L_overlay_start_2:
0x3d: {  	(tag) =	ssettag $0x2  }
0x3e: {  	s0 =	rddreg [dreg:$0x0];
	s2 =	stileid.u32  }
0x3f: {  	s1 =	rddreg [dreg:$0x1];
	p0 =	sne.s32 s2, $0x0  }
0x40: {  	s3 =	rddreg [dreg:$0x2];
	[bflag:$0x3] =	sbarrier.arrive $0xFFFF;
	s2 =	simm.s32 @!p0 $0x1C02  }
0x41: {  	[timem:s3], [sflag:s2] =	dma.local @!p0 [hbm:s0], s1  }
0x42: {  	s0 =	simm.s32 @!p0 $0x2  }
0x43: {  	_ =	swait.ge @!p0 [sflag:s0], s1  }
0x44: {  	s1 =	ssub.s32 @!p0 $0x0, s1;
	[sflag:s0] =	ssyncset.done @!p0 $0x0  }
0x45: {  	[sflag:s0] =	ssyncadd.s32 @!p0 s1  }
0x46: {  	[bflag:$0x3] =	sbarrier.arrive $0xFFFF  }
0x47: {  	_ =	shalt  }

</sc_bundles>
